<compile_context>
chip_gen: v7x
topology: tpu7x:2x2x1
jax: 0.10.2.dev20260603
libtpu: 0.0.44.dev20260713+nightly
codegen_flags: <defaults>
</compile_context>

<pallas_src>
import jax
import jax.numpy as jnp
from jax import lax
from jax.experimental import pallas as pl
from jax.experimental.pallas import tpu as pltpu
from jax.experimental.pallas import tpu_sc as plsc

_B = 4096
_L = 200
_D = 64
_DP = 128
_LANES = 16
_NC = 2
_NS = 16
_NW = _NC * _NS
_SEQ_PER_W = _B // _NW
_ROWS_PER_W = _SEQ_PER_W * _L
_CH = _L
_NCHUNK = _SEQ_PER_W


def _emb_body(x_hbm, tab_hbm, pos_hbm, out_hbm, pos_v, i0, i1,
              r0, r1, s0v, s1v, g0, g1, s0, s1, o0, o1):
    ibuf = (i0, i1)
    rows = (r0, r1)
    st = (s0v, s1v)
    gsem = (g0, g1)
    isem = (s0, s1)
    osem = (o0, o1)
    cid = lax.axis_index("c")
    sid = lax.axis_index("s")
    wid = sid * _NC + cid
    base = wid * _ROWS_PER_W

    pltpu.sync_copy(pos_hbm, pos_v)

    def idxcp(ch, j):
        return pltpu.make_async_copy(
            x_hbm.at[pl.ds(base + ch * _CH, _CH)], ibuf[j], isem[j])

    def gather(ch, j):
        return pltpu.make_async_copy(
            tab_hbm.at[ibuf[j]], rows[j], gsem[j])

    def outcp(ch, j):
        off = pl.multiple_of(base + ch * _CH, 8)
        return pltpu.make_async_copy(
            st[j], out_hbm.at[pl.ds(off, _CH)], osem[j])

    idxcp(0, 0).start()
    idxcp(1, 1).start()
    idxcp(0, 0).wait()
    gather(0, 0).start()
    idxcp(1, 1).wait()
    gather(1, 1).start()

    @pl.loop(0, _NCHUNK, step=2)
    def _(k2):
        for j in range(2):
            ch = k2 + j
            gather(ch, j).wait()

            @pl.when(ch >= 2)
            def _():
                outcp(ch - 2, j).wait()

            @pl.when(ch < _NCHUNK - 2)
            def _():
                idxcp(ch + 2, j).start()

            @pl.loop(0, _CH, step=4)
            def _(r):
                for rr in range(4):
                    for c in range(_D // _LANES):
                        sl = pl.ds(c * _LANES, _LANES)
                        st[j][r + rr, sl] = (rows[j][r + rr, sl]
                                             + pos_v[r + rr, sl])

            outcp(ch, j).start()

            @pl.when(ch < _NCHUNK - 2)
            def _():
                idxcp(ch + 2, j).wait()
                gather(ch + 2, j).start()

    outcp(_NCHUNK - 2, 0).wait()
    outcp(_NCHUNK - 1, 1).wait()


@jax.jit
def _emb(x_flat, table_padded, pos):
    mesh = plsc.VectorSubcoreMesh(core_axis_name="c", subcore_axis_name="s")
    run = pl.kernel(
        _emb_body,
        out_type=jax.ShapeDtypeStruct((_B * _L, _D), jnp.float32),
        mesh=mesh,
        scratch_types=[
            pltpu.VMEM((_L, _D), jnp.float32),
            pltpu.VMEM((_CH,), jnp.int32),
            pltpu.VMEM((_CH,), jnp.int32),
            pltpu.VMEM((_CH, _DP), jnp.float32),
            pltpu.VMEM((_CH, _DP), jnp.float32),
            pltpu.VMEM((_CH, _D), jnp.float32),
            pltpu.VMEM((_CH, _D), jnp.float32),
        ] + [pltpu.SemaphoreType.DMA for _ in range(6)],
    )
    return run(x_flat, table_padded, pos)


def kernel(x, table, pos_embed):
    x_flat = x.reshape(-1)
    table_padded = jnp.pad(table, ((0, 0), (0, _DP - _D)))
    pos = pos_embed.reshape(_L, _D)
    out = _emb(x_flat, table_padded, pos)
    return out.reshape(_B, _L, _D)

# --- scband reference (transcript-rebuilt; emitter-appended) ---
"""Pipeline reference for scband-custom-embedding-48704929137203 (READ-ONLY COPY).

The authoritative reference and input builder live on the scoring server;
editing this copy changes nothing except your own understanding.
"""

import jax, jax.numpy as jnp
import numpy as np
import math

VOCAB = 1000000
EMBED_DIM = 64
SEQ_LENGTH = 200
BATCH = 4096

def _positional_encoding(model_size, seq_length):
    position = np.arange(0, seq_length, dtype=np.float32)[:, None]
    div_term = np.exp(np.arange(0, model_size, 2).astype(np.float32) * (-math.log(10000.0) / model_size))
    pe = np.zeros((seq_length, model_size), dtype=np.float32)
    pe[:, 0::2] = np.sin(position * div_term)
    pe[:, 1::2] = np.cos(position * div_term)
    return jnp.asarray(pe[None, :, :])  # (1, seq_length, model_size)


def setup_inputs(seed: int = 0) -> dict:
    key = jax.random.key(seed)
    k_idx, k_tab = jax.random.split(key)
    x = jax.random.randint(k_idx, (BATCH, SEQ_LENGTH), 0, VOCAB, dtype=jnp.int32)
    # nn.Embedding weight ~ N(0,1); padding_idx=0 row is zeroed
    table = jax.random.normal(k_tab, (VOCAB, EMBED_DIM), dtype=jnp.float32)
    table = table.at[0].set(0.0)
    pos_embed = _positional_encoding(EMBED_DIM, SEQ_LENGTH)
    return {"x": x, "table": table, "pos_embed": pos_embed}


def reference(x, table, pos_embed):
    embeded = jnp.take(table, x, axis=0)  # (B, L, D) gather
    position = pos_embed[:, : x.shape[1], :]
    return embeded + position

if __name__ == "__main__":
    import jax
    _d = setup_inputs()
    print(jax.jit(kernel)(*tuple(_d.values())))

</pallas_src>

<mosaic_0001>
#map = affine_map<(d0, d1) -> (0)>
#map1 = affine_map<(d0, d1) -> (0, 0)>
module attributes {stable_mosaic.version = 14 : i64} {
  func.func @_emb_body(%arg0: i32, %arg1: i32, %arg2: memref<819200xi32, #tpu.memory_space<hbm>>, %arg3: memref<1000000x128xf32, #tpu.memory_space<hbm>>, %arg4: memref<200x64xf32, #tpu.memory_space<hbm>>, %arg5: memref<819200x64xf32, #tpu.memory_space<hbm>>, %arg6: memref<200x64xf32, #tpu.memory_space<vmem>>, %arg7: memref<200xi32, #tpu.memory_space<vmem>>, %arg8: memref<200xi32, #tpu.memory_space<vmem>>, %arg9: memref<200x128xf32, #tpu.memory_space<vmem>>, %arg10: memref<200x128xf32, #tpu.memory_space<vmem>>, %arg11: memref<200x64xf32, #tpu.memory_space<vmem>>, %arg12: memref<200x64xf32, #tpu.memory_space<vmem>>, %arg13: memref<!tpu.dma_semaphore, #tpu.memory_space<semaphore_mem>>, %arg14: memref<!tpu.dma_semaphore, #tpu.memory_space<semaphore_mem>>, %arg15: memref<!tpu.dma_semaphore, #tpu.memory_space<semaphore_mem>>, %arg16: memref<!tpu.dma_semaphore, #tpu.memory_space<semaphore_mem>>, %arg17: memref<!tpu.dma_semaphore, #tpu.memory_space<semaphore_mem>>, %arg18: memref<!tpu.dma_semaphore, #tpu.memory_space<semaphore_mem>>) attributes {dimension_semantics = [#tpu.dimension_semantics<core_parallel>, #tpu.dimension_semantics<subcore_parallel>], iteration_bounds = array<i64: 2, 16>, scalar_prefetch = 0 : i64, scratch_operands = 13 : i64, tpu.core_type = #tpu.core_type<sc_vector_subcore>, window_params = [{transform_indices = #map}, {transform_indices = #map1}, {transform_indices = #map1}, {transform_indices = #map1}]} {
    %mul3A = arith.constant 2 : i32
    %mul3A_0 = arith.muli %arg1, %mul3A : i32
    %add3A = arith.addi %mul3A_0, %arg0 : i32
    %mul3A_1 = arith.constant 25600 : i32
    %mul3A_2 = arith.muli %add3A, %mul3A_1 : i32
    "tpu.region"() ({
      %run_scoped3A = tpu.sem_alloc : memref<!tpu.dma_semaphore, #tpu.memory_space<semaphore_mem>>
      tpu.enqueue_dma source(%arg4 : memref<200x64xf32, #tpu.memory_space<hbm>>) target(%arg6 : memref<200x64xf32, #tpu.memory_space<vmem>>) target_semaphore(%run_scoped3A : memref<!tpu.dma_semaphore, #tpu.memory_space<semaphore_mem>>)
      tpu.wait_dma2 semaphore(%run_scoped3A : memref<!tpu.dma_semaphore, #tpu.memory_space<semaphore_mem>>) src(%arg4 : memref<200x64xf32, #tpu.memory_space<hbm>>) dst(%arg6 : memref<200x64xf32, #tpu.memory_space<vmem>>)
      tpu.yield
    }) : () -> ()
    %add3A_3 = arith.constant 0 : i32
    %add3A_4 = arith.addi %mul3A_2, %add3A_3 : i32
    %dma_start3A = tpu.memref_slice %arg2[%add3A_4] : memref<819200xi32, #tpu.memory_space<hbm>> -> memref<200xi32, #tpu.memory_space<hbm>>
    %dma_start3A_5 = tpu.memref_slice %arg2[%add3A_4] : memref<819200xi32, #tpu.memory_space<hbm>> -> memref<200xi32, #tpu.memory_space<hbm>>
    tpu.enqueue_dma source(%dma_start3A_5 : memref<200xi32, #tpu.memory_space<hbm>>) target(%arg7 : memref<200xi32, #tpu.memory_space<vmem>>) target_semaphore(%arg15 : memref<!tpu.dma_semaphore, #tpu.memory_space<semaphore_mem>>)
    %add3A_6 = arith.constant 200 : i32
    %add3A_7 = arith.addi %mul3A_2, %add3A_6 : i32
    %dma_start3A_8 = tpu.memref_slice %arg2[%add3A_7] : memref<819200xi32, #tpu.memory_space<hbm>> -> memref<200xi32, #tpu.memory_space<hbm>>
    %dma_start3A_9 = tpu.memref_slice %arg2[%add3A_7] : memref<819200xi32, #tpu.memory_space<hbm>> -> memref<200xi32, #tpu.memory_space<hbm>>
    tpu.enqueue_dma source(%dma_start3A_9 : memref<200xi32, #tpu.memory_space<hbm>>) target(%arg8 : memref<200xi32, #tpu.memory_space<vmem>>) target_semaphore(%arg16 : memref<!tpu.dma_semaphore, #tpu.memory_space<semaphore_mem>>)
    %add3A_10 = arith.constant 0 : i32
    %add3A_11 = arith.addi %mul3A_2, %add3A_10 : i32
    %dma_wait3A = tpu.memref_slice %arg2[%add3A_11] : memref<819200xi32, #tpu.memory_space<hbm>> -> memref<200xi32, #tpu.memory_space<hbm>>
    %dma_wait3A_12 = tpu.memref_slice %arg2[%add3A_11] : memref<819200xi32, #tpu.memory_space<hbm>> -> memref<200xi32, #tpu.memory_space<hbm>>
    tpu.wait_dma2 semaphore(%arg15 : memref<!tpu.dma_semaphore, #tpu.memory_space<semaphore_mem>>) src(%dma_wait3A_12 : memref<200xi32, #tpu.memory_space<hbm>>) dst(%arg7 : memref<200xi32, #tpu.memory_space<vmem>>)
    %dma_start3A_13 = arith.constant 0 : i32
    %dma_start3A_14 = arith.constant 0 : i32
    %dma_start3A_15 = tpu.memref_slice %arg3[%dma_start3A_13, %dma_start3A_14] : memref<1000000x128xf32, #tpu.memory_space<hbm>> -> memref<1000000x128xf32, #tpu.memory_space<hbm>>
    tpu.enqueue_indirect_dma source(%dma_start3A_15 : memref<1000000x128xf32, #tpu.memory_space<hbm>>) target(%arg9 : memref<200x128xf32, #tpu.memory_space<vmem>>) offsets(%arg7 : memref<200xi32, #tpu.memory_space<vmem>>) semaphore(%arg13 : memref<!tpu.dma_semaphore, #tpu.memory_space<semaphore_mem>>)
    %add3A_16 = arith.constant 200 : i32
    %add3A_17 = arith.addi %mul3A_2, %add3A_16 : i32
    %dma_wait3A_18 = tpu.memref_slice %arg2[%add3A_17] : memref<819200xi32, #tpu.memory_space<hbm>> -> memref<200xi32, #tpu.memory_space<hbm>>
    %dma_wait3A_19 = tpu.memref_slice %arg2[%add3A_17] : memref<819200xi32, #tpu.memory_space<hbm>> -> memref<200xi32, #tpu.memory_space<hbm>>
    tpu.wait_dma2 semaphore(%arg16 : memref<!tpu.dma_semaphore, #tpu.memory_space<semaphore_mem>>) src(%dma_wait3A_19 : memref<200xi32, #tpu.memory_space<hbm>>) dst(%arg8 : memref<200xi32, #tpu.memory_space<vmem>>)
    %dma_start3A_20 = arith.constant 0 : i32
    %dma_start3A_21 = arith.constant 0 : i32
    %dma_start3A_22 = tpu.memref_slice %arg3[%dma_start3A_20, %dma_start3A_21] : memref<1000000x128xf32, #tpu.memory_space<hbm>> -> memref<1000000x128xf32, #tpu.memory_space<hbm>>
    tpu.enqueue_indirect_dma source(%dma_start3A_22 : memref<1000000x128xf32, #tpu.memory_space<hbm>>) target(%arg10 : memref<200x128xf32, #tpu.memory_space<vmem>>) offsets(%arg8 : memref<200xi32, #tpu.memory_space<vmem>>) semaphore(%arg14 : memref<!tpu.dma_semaphore, #tpu.memory_space<semaphore_mem>>)
    %scan3A = arith.constant 0 : i32
    %scan3A_23 = arith.constant 64 : i32
    %scan3A_24 = arith.addi %scan3A, %scan3A_23 : i32
    %scan3A_25 = arith.constant 1 : i32
    scf.for %scan3A_40 = %scan3A to %scan3A_24 step %scan3A_25  : i32 {
      %mul3A_41 = arith.constant 2 : i32
      %mul3A_42 = arith.muli %scan3A_40, %mul3A_41 : i32
      %add3A_43 = arith.constant 0 : i32
      %add3A_44 = arith.addi %add3A_43, %mul3A_42 : i32
      %add3A_45 = arith.constant 0 : i32
      %add3A_46 = arith.addi %add3A_44, %add3A_45 : i32
      %dma_wait3A_47 = arith.constant 0 : i32
      %dma_wait3A_48 = arith.constant 0 : i32
      %dma_wait3A_49 = tpu.memref_slice %arg3[%dma_wait3A_47, %dma_wait3A_48] : memref<1000000x128xf32, #tpu.memory_space<hbm>> -> memref<1000000x128xf32, #tpu.memory_space<hbm>>
      tpu.wait_indirect_dma semaphore(%arg13 : memref<!tpu.dma_semaphore, #tpu.memory_space<semaphore_mem>>) src(%dma_wait3A_49 : memref<1000000x128xf32, #tpu.memory_space<hbm>>) dst(%arg9 : memref<200x128xf32, #tpu.memory_space<vmem>>)
      %ge3A = arith.constant 2 : i32
      %ge3A_50 = arith.cmpi sge, %add3A_46, %ge3A : i32
      %convert_element_type3A = arith.extui %ge3A_50 : i1 to i32
      %cond3A = arith.constant 0 : i32
      %cond3A_51 = arith.cmpi ne, %convert_element_type3A, %cond3A : i32
      scf.if %cond3A_51 {
        %sub3A = arith.constant 2 : i32
        %sub3A_107 = arith.subi %add3A_46, %sub3A : i32
        %mul3A_108 = arith.constant 200 : i32
        %mul3A_109 = arith.muli %sub3A_107, %mul3A_108 : i32
        %add3A_110 = arith.addi %mul3A_2, %mul3A_109 : i32
        %multiple_of3A_111 = tpu.assume_multiple %add3A_110, 8 : i32
        %dma_wait3A_112 = arith.constant 0 : i32
        %dma_wait3A_113 = tpu.memref_slice %arg5[%multiple_of3A_111, %dma_wait3A_112] : memref<819200x64xf32, #tpu.memory_space<hbm>> -> memref<200x64xf32, #tpu.memory_space<hbm>>
        %dma_wait3A_114 = arith.constant 0 : i32
        %dma_wait3A_115 = tpu.memref_slice %arg5[%multiple_of3A_111, %dma_wait3A_114] : memref<819200x64xf32, #tpu.memory_space<hbm>> -> memref<200x64xf32, #tpu.memory_space<hbm>>
        tpu.wait_dma2 semaphore(%arg17 : memref<!tpu.dma_semaphore, #tpu.memory_space<semaphore_mem>>) src(%arg11 : memref<200x64xf32, #tpu.memory_space<vmem>>) dst(%dma_wait3A_115 : memref<200x64xf32, #tpu.memory_space<hbm>>)
      } else {
      }
      %lt3A = arith.constant 126 : i32
      %lt3A_52 = arith.cmpi slt, %add3A_46, %lt3A : i32
      %convert_element_type3A_53 = arith.extui %lt3A_52 : i1 to i32
      %cond3A_54 = arith.constant 0 : i32
      %cond3A_55 = arith.cmpi ne, %convert_element_type3A_53, %cond3A_54 : i32
      scf.if %cond3A_55 {
        %add3A_107 = arith.constant 2 : i32
        %add3A_108 = arith.addi %add3A_46, %add3A_107 : i32
        %mul3A_109 = arith.constant 200 : i32
        %mul3A_110 = arith.muli %add3A_108, %mul3A_109 : i32
        %add3A_111 = arith.addi %mul3A_2, %mul3A_110 : i32
        %dma_start3A_112 = tpu.memref_slice %arg2[%add3A_111] : memref<819200xi32, #tpu.memory_space<hbm>> -> memref<200xi32, #tpu.memory_space<hbm>>
        %dma_start3A_113 = tpu.memref_slice %arg2[%add3A_111] : memref<819200xi32, #tpu.memory_space<hbm>> -> memref<200xi32, #tpu.memory_space<hbm>>
        tpu.enqueue_dma source(%dma_start3A_113 : memref<200xi32, #tpu.memory_space<hbm>>) target(%arg7 : memref<200xi32, #tpu.memory_space<vmem>>) target_semaphore(%arg15 : memref<!tpu.dma_semaphore, #tpu.memory_space<semaphore_mem>>)
      } else {
      }
      %scan3A_56 = arith.constant 0 : i32
      %scan3A_57 = arith.constant 50 : i32
      %scan3A_58 = arith.addi %scan3A_56, %scan3A_57 : i32
      %scan3A_59 = arith.constant 1 : i32
      scf.for %scan3A_107 = %scan3A_56 to %scan3A_58 step %scan3A_59  : i32 {
        %mul3A_108 = arith.constant 4 : i32
        %mul3A_109 = arith.muli %scan3A_107, %mul3A_108 : i32
        %add3A_110 = arith.constant 0 : i32
        %add3A_111 = arith.addi %add3A_110, %mul3A_109 : i32
        %add3A_112 = arith.constant 0 : i32
        %add3A_113 = arith.addi %add3A_111, %add3A_112 : i32
        %get3A = arith.index_cast %add3A_113 : i32 to index
        %get3A_114 = arith.constant 0 : index
        %get3A_115 = tpu.vector_load %arg9[%get3A, %get3A_114] {strides = array<i32>} : memref<200x128xf32, #tpu.memory_space<vmem>>, vector<1x16xf32>,
        %get3A_116 = vector.shape_cast %get3A_115 : vector<1x16xf32> to vector<16xf32>
        %add3A_117 = arith.constant 0 : i32
        %add3A_118 = arith.addi %add3A_111, %add3A_117 : i32
        %get3A_119 = arith.index_cast %add3A_118 : i32 to index
        %get3A_120 = arith.constant 0 : index
        %get3A_121 = tpu.vector_load %arg6[%get3A_119, %get3A_120] {strides = array<i32>} : memref<200x64xf32, #tpu.memory_space<vmem>>, vector<1x16xf32>,
        %get3A_122 = vector.shape_cast %get3A_121 : vector<1x16xf32> to vector<16xf32>
        %add3A_123 = arith.addf %get3A_116, %get3A_122 : vector<16xf32>
        %add3A_124 = arith.constant 0 : i32
        %add3A_125 = arith.addi %add3A_111, %add3A_124 : i32
        %swap3A = arith.index_cast %add3A_125 : i32 to index
        %swap3A_126 = arith.constant 0 : index
        %swap3A_127 = tpu.vector_load %arg11[%swap3A, %swap3A_126] {strides = array<i32>} : memref<200x64xf32, #tpu.memory_space<vmem>>, vector<1x16xf32>,
        %swap3A_128 = vector.shape_cast %swap3A_127 : vector<1x16xf32> to vector<16xf32>
        %swap3A_129 = vector.shape_cast %add3A_123 : vector<16xf32> to vector<1x16xf32>
        tpu.vector_store %arg11[%swap3A, %swap3A_126], %swap3A_129 {strides = array<i32>} : memref<200x64xf32, #tpu.memory_space<vmem>>, vector<1x16xf32>,
        %add3A_130 = arith.constant 0 : i32
        %add3A_131 = arith.addi %add3A_111, %add3A_130 : i32
        %get3A_132 = arith.index_cast %add3A_131 : i32 to index
        %get3A_133 = arith.constant 16 : index
        %get3A_134 = tpu.vector_load %arg9[%get3A_132, %get3A_133] {strides = array<i32>} : memref<200x128xf32, #tpu.memory_space<vmem>>, vector<1x16xf32>,
        %get3A_135 = vector.shape_cast %get3A_134 : vector<1x16xf32> to vector<16xf32>
        %add3A_136 = arith.constant 0 : i32
        %add3A_137 = arith.addi %add3A_111, %add3A_136 : i32
        %get3A_138 = arith.index_cast %add3A_137 : i32 to index
        %get3A_139 = arith.constant 16 : index
        %get3A_140 = tpu.vector_load %arg6[%get3A_138, %get3A_139] {strides = array<i32>} : memref<200x64xf32, #tpu.memory_space<vmem>>, vector<1x16xf32>,
        %get3A_141 = vector.shape_cast %get3A_140 : vector<1x16xf32> to vector<16xf32>
        %add3A_142 = arith.addf %get3A_135, %get3A_141 : vector<16xf32>
        %add3A_143 = arith.constant 0 : i32
        %add3A_144 = arith.addi %add3A_111, %add3A_143 : i32
        %swap3A_145 = arith.index_cast %add3A_144 : i32 to index
        %swap3A_146 = arith.constant 16 : index
        %swap3A_147 = tpu.vector_load %arg11[%swap3A_145, %swap3A_146] {strides = array<i32>} : memref<200x64xf32, #tpu.memory_space<vmem>>, vector<1x16xf32>,
        %swap3A_148 = vector.shape_cast %swap3A_147 : vector<1x16xf32> to vector<16xf32>
        %swap3A_149 = vector.shape_cast %add3A_142 : vector<16xf32> to vector<1x16xf32>
        tpu.vector_store %arg11[%swap3A_145, %swap3A_146], %swap3A_149 {strides = array<i32>} : memref<200x64xf32, #tpu.memory_space<vmem>>, vector<1x16xf32>,
        %add3A_150 = arith.constant 0 : i32
        %add3A_151 = arith.addi %add3A_111, %add3A_150 : i32
        %get3A_152 = arith.index_cast %add3A_151 : i32 to index
        %get3A_153 = arith.constant 32 : index
        %get3A_154 = tpu.vector_load %arg9[%get3A_152, %get3A_153] {strides = array<i32>} : memref<200x128xf32, #tpu.memory_space<vmem>>, vector<1x16xf32>,
        %get3A_155 = vector.shape_cast %get3A_154 : vector<1x16xf32> to vector<16xf32>
        %add3A_156 = arith.constant 0 : i32
        %add3A_157 = arith.addi %add3A_111, %add3A_156 : i32
        %get3A_158 = arith.index_cast %add3A_157 : i32 to index
        %get3A_159 = arith.constant 32 : index
        %get3A_160 = tpu.vector_load %arg6[%get3A_158, %get3A_159] {strides = array<i32>} : memref<200x64xf32, #tpu.memory_space<vmem>>, vector<1x16xf32>,
        %get3A_161 = vector.shape_cast %get3A_160 : vector<1x16xf32> to vector<16xf32>
        %add3A_162 = arith.addf %get3A_155, %get3A_161 : vector<16xf32>
        %add3A_163 = arith.constant 0 : i32
        %add3A_164 = arith.addi %add3A_111, %add3A_163 : i32
        %swap3A_165 = arith.index_cast %add3A_164 : i32 to index
        %swap3A_166 = arith.constant 32 : index
        %swap3A_167 = tpu.vector_load %arg11[%swap3A_165, %swap3A_166] {strides = array<i32>} : memref<200x64xf32, #tpu.memory_space<vmem>>, vector<1x16xf32>,
        %swap3A_168 = vector.shape_cast %swap3A_167 : vector<1x16xf32> to vector<16xf32>
        %swap3A_169 = vector.shape_cast %add3A_162 : vector<16xf32> to vector<1x16xf32>
        tpu.vector_store %arg11[%swap3A_165, %swap3A_166], %swap3A_169 {strides = array<i32>} : memref<200x64xf32, #tpu.memory_space<vmem>>, vector<1x16xf32>,
        %add3A_170 = arith.constant 0 : i32
        %add3A_171 = arith.addi %add3A_111, %add3A_170 : i32
        %get3A_172 = arith.index_cast %add3A_171 : i32 to index
        %get3A_173 = arith.constant 48 : index
        %get3A_174 = tpu.vector_load %arg9[%get3A_172, %get3A_173] {strides = array<i32>} : memref<200x128xf32, #tpu.memory_space<vmem>>, vector<1x16xf32>,
        %get3A_175 = vector.shape_cast %get3A_174 : vector<1x16xf32> to vector<16xf32>
        %add3A_176 = arith.constant 0 : i32
        %add3A_177 = arith.addi %add3A_111, %add3A_176 : i32
        %get3A_178 = arith.index_cast %add3A_177 : i32 to index
        %get3A_179 = arith.constant 48 : index
        %get3A_180 = tpu.vector_load %arg6[%get3A_178, %get3A_179] {strides = array<i32>} : memref<200x64xf32, #tpu.memory_space<vmem>>, vector<1x16xf32>,
        %get3A_181 = vector.shape_cast %get3A_180 : vector<1x16xf32> to vector<16xf32>
        %add3A_182 = arith.addf %get3A_175, %get3A_181 : vector<16xf32>
        %add3A_183 = arith.constant 0 : i32
        %add3A_184 = arith.addi %add3A_111, %add3A_183 : i32
        %swap3A_185 = arith.index_cast %add3A_184 : i32 to index
        %swap3A_186 = arith.constant 48 : index
        %swap3A_187 = tpu.vector_load %arg11[%swap3A_185, %swap3A_186] {strides = array<i32>} : memref<200x64xf32, #tpu.memory_space<vmem>>, vector<1x16xf32>,
        %swap3A_188 = vector.shape_cast %swap3A_187 : vector<1x16xf32> to vector<16xf32>
        %swap3A_189 = vector.shape_cast %add3A_182 : vector<16xf32> to vector<1x16xf32>
        tpu.vector_store %arg11[%swap3A_185, %swap3A_186], %swap3A_189 {strides = array<i32>} : memref<200x64xf32, #tpu.memory_space<vmem>>, vector<1x16xf32>,
        %add3A_190 = arith.constant 1 : i32
        %add3A_191 = arith.addi %add3A_111, %add3A_190 : i32
        %get3A_192 = arith.index_cast %add3A_191 : i32 to index
        %get3A_193 = arith.constant 0 : index
        %get3A_194 = tpu.vector_load %arg9[%get3A_192, %get3A_193] {strides = array<i32>} : memref<200x128xf32, #tpu.memory_space<vmem>>, vector<1x16xf32>,
        %get3A_195 = vector.shape_cast %get3A_194 : vector<1x16xf32> to vector<16xf32>
        %add3A_196 = arith.constant 1 : i32
        %add3A_197 = arith.addi %add3A_111, %add3A_196 : i32
        %get3A_198 = arith.index_cast %add3A_197 : i32 to index
        %get3A_199 = arith.constant 0 : index
        %get3A_200 = tpu.vector_load %arg6[%get3A_198, %get3A_199] {strides = array<i32>} : memref<200x64xf32, #tpu.memory_space<vmem>>, vector<1x16xf32>,
        %get3A_201 = vector.shape_cast %get3A_200 : vector<1x16xf32> to vector<16xf32>
        %add3A_202 = arith.addf %get3A_195, %get3A_201 : vector<16xf32>
        %add3A_203 = arith.constant 1 : i32
        %add3A_204 = arith.addi %add3A_111, %add3A_203 : i32
        %swap3A_205 = arith.index_cast %add3A_204 : i32 to index
        %swap3A_206 = arith.constant 0 : index
        %swap3A_207 = tpu.vector_load %arg11[%swap3A_205, %swap3A_206] {strides = array<i32>} : memref<200x64xf32, #tpu.memory_space<vmem>>, vector<1x16xf32>,
        %swap3A_208 = vector.shape_cast %swap3A_207 : vector<1x16xf32> to vector<16xf32>
        %swap3A_209 = vector.shape_cast %add3A_202 : vector<16xf32> to vector<1x16xf32>
        tpu.vector_store %arg11[%swap3A_205, %swap3A_206], %swap3A_209 {strides = array<i32>} : memref<200x64xf32, #tpu.memory_space<vmem>>, vector<1x16xf32>,
        %add3A_210 = arith.constant 1 : i32
        %add3A_211 = arith.addi %add3A_111, %add3A_210 : i32
        %get3A_212 = arith.index_cast %add3A_211 : i32 to index
        %get3A_213 = arith.constant 16 : index
        %get3A_214 = tpu.vector_load %arg9[%get3A_212, %get3A_213] {strides = array<i32>} : memref<200x128xf32, #tpu.memory_space<vmem>>, vector<1x16xf32>,
        %get3A_215 = vector.shape_cast %get3A_214 : vector<1x16xf32> to vector<16xf32>
        %add3A_216 = arith.constant 1 : i32
        %add3A_217 = arith.addi %add3A_111, %add3A_216 : i32
        %get3A_218 = arith.index_cast %add3A_217 : i32 to index
        %get3A_219 = arith.constant 16 : index
        %get3A_220 = tpu.vector_load %arg6[%get3A_218, %get3A_219] {strides = array<i32>} : memref<200x64xf32, #tpu.memory_space<vmem>>, vector<1x16xf32>,
        %get3A_221 = vector.shape_cast %get3A_220 : vector<1x16xf32> to vector<16xf32>
        %add3A_222 = arith.addf %get3A_215, %get3A_221 : vector<16xf32>
        %add3A_223 = arith.constant 1 : i32
        %add3A_224 = arith.addi %add3A_111, %add3A_223 : i32
        %swap3A_225 = arith.index_cast %add3A_224 : i32 to index
        %swap3A_226 = arith.constant 16 : index
        %swap3A_227 = tpu.vector_load %arg11[%swap3A_225, %swap3A_226] {strides = array<i32>} : memref<200x64xf32, #tpu.memory_space<vmem>>, vector<1x16xf32>,
        %swap3A_228 = vector.shape_cast %swap3A_227 : vector<1x16xf32> to vector<16xf32>
        %swap3A_229 = vector.shape_cast %add3A_222 : vector<16xf32> to vector<1x16xf32>
        tpu.vector_store %arg11[%swap3A_225, %swap3A_226], %swap3A_229 {strides = array<i32>} : memref<200x64xf32, #tpu.memory_space<vmem>>, vector<1x16xf32>,
        %add3A_230 = arith.constant 1 : i32
        %add3A_231 = arith.addi %add3A_111, %add3A_230 : i32
        %get3A_232 = arith.index_cast %add3A_231 : i32 to index
        %get3A_233 = arith.constant 32 : index
        %get3A_234 = tpu.vector_load %arg9[%get3A_232, %get3A_233] {strides = array<i32>} : memref<200x128xf32, #tpu.memory_space<vmem>>, vector<1x16xf32>,
        %get3A_235 = vector.shape_cast %get3A_234 : vector<1x16xf32> to vector<16xf32>
        %add3A_236 = arith.constant 1 : i32
        %add3A_237 = arith.addi %add3A_111, %add3A_236 : i32
        %get3A_238 = arith.index_cast %add3A_237 : i32 to index
        %get3A_239 = arith.constant 32 : index
        %get3A_240 = tpu.vector_load %arg6[%get3A_238, %get3A_239] {strides = array<i32>} : memref<200x64xf32, #tpu.memory_space<vmem>>, vector<1x16xf32>,
        %get3A_241 = vector.shape_cast %get3A_240 : vector<1x16xf32> to vector<16xf32>
        %add3A_242 = arith.addf %get3A_235, %get3A_241 : vector<16xf32>
        %add3A_243 = arith.constant 1 : i32
        %add3A_244 = arith.addi %add3A_111, %add3A_243 : i32
        %swap3A_245 = arith.index_cast %add3A_244 : i32 to index
        %swap3A_246 = arith.constant 32 : index
        %swap3A_247 = tpu.vector_load %arg11[%swap3A_245, %swap3A_246] {strides = array<i32>} : memref<200x64xf32, #tpu.memory_space<vmem>>, vector<1x16xf32>,
        %swap3A_248 = vector.shape_cast %swap3A_247 : vector<1x16xf32> to vector<16xf32>
        %swap3A_249 = vector.shape_cast %add3A_242 : vector<16xf32> to vector<1x16xf32>
        tpu.vector_store %arg11[%swap3A_245, %swap3A_246], %swap3A_249 {strides = array<i32>} : memref<200x64xf32, #tpu.memory_space<vmem>>, vector<1x16xf32>,
        %add3A_250 = arith.constant 1 : i32
        %add3A_251 = arith.addi %add3A_111, %add3A_250 : i32
        %get3A_252 = arith.index_cast %add3A_251 : i32 to index
        %get3A_253 = arith.constant 48 : index
        %get3A_254 = tpu.vector_load %arg9[%get3A_252, %get3A_253] {strides = array<i32>} : memref<200x128xf32, #tpu.memory_space<vmem>>, vector<1x16xf32>,
        %get3A_255 = vector.shape_cast %get3A_254 : vector<1x16xf32> to vector<16xf32>
        %add3A_256 = arith.constant 1 : i32
        %add3A_257 = arith.addi %add3A_111, %add3A_256 : i32
        %get3A_258 = arith.index_cast %add3A_257 : i32 to index
        %get3A_259 = arith.constant 48 : index
        %get3A_260 = tpu.vector_load %arg6[%get3A_258, %get3A_259] {strides = array<i32>} : memref<200x64xf32, #tpu.memory_space<vmem>>, vector<1x16xf32>,
        %get3A_261 = vector.shape_cast %get3A_260 : vector<1x16xf32> to vector<16xf32>
        %add3A_262 = arith.addf %get3A_255, %get3A_261 : vector<16xf32>
        %add3A_263 = arith.constant 1 : i32
        %add3A_264 = arith.addi %add3A_111, %add3A_263 : i32
        %swap3A_265 = arith.index_cast %add3A_264 : i32 to index
        %swap3A_266 = arith.constant 48 : index
        %swap3A_267 = tpu.vector_load %arg11[%swap3A_265, %swap3A_266] {strides = array<i32>} : memref<200x64xf32, #tpu.memory_space<vmem>>, vector<1x16xf32>,
        %swap3A_268 = vector.shape_cast %swap3A_267 : vector<1x16xf32> to vector<16xf32>
        %swap3A_269 = vector.shape_cast %add3A_262 : vector<16xf32> to vector<1x16xf32>
        tpu.vector_store %arg11[%swap3A_265, %swap3A_266], %swap3A_269 {strides = array<i32>} : memref<200x64xf32, #tpu.memory_space<vmem>>, vector<1x16xf32>,
        %add3A_270 = arith.constant 2 : i32
        %add3A_271 = arith.addi %add3A_111, %add3A_270 : i32
        %get3A_272 = arith.index_cast %add3A_271 : i32 to index
        %get3A_273 = arith.constant 0 : index
        %get3A_274 = tpu.vector_load %arg9[%get3A_272, %get3A_273] {strides = array<i32>} : memref<200x128xf32, #tpu.memory_space<vmem>>, vector<1x16xf32>,
        %get3A_275 = vector.shape_cast %get3A_274 : vector<1x16xf32> to vector<16xf32>
        %add3A_276 = arith.constant 2 : i32
        %add3A_277 = arith.addi %add3A_111, %add3A_276 : i32
        %get3A_278 = arith.index_cast %add3A_277 : i32 to index
        %get3A_279 = arith.constant 0 : index
        %get3A_280 = tpu.vector_load %arg6[%get3A_278, %get3A_279] {strides = array<i32>} : memref<200x64xf32, #tpu.memory_space<vmem>>, vector<1x16xf32>,
        %get3A_281 = vector.shape_cast %get3A_280 : vector<1x16xf32> to vector<16xf32>
        %add3A_282 = arith.addf %get3A_275, %get3A_281 : vector<16xf32>
        %add3A_283 = arith.constant 2 : i32
        %add3A_284 = arith.addi %add3A_111, %add3A_283 : i32
        %swap3A_285 = arith.index_cast %add3A_284 : i32 to index
        %swap3A_286 = arith.constant 0 : index
        %swap3A_287 = tpu.vector_load %arg11[%swap3A_285, %swap3A_286] {strides = array<i32>} : memref<200x64xf32, #tpu.memory_space<vmem>>, vector<1x16xf32>,
        %swap3A_288 = vector.shape_cast %swap3A_287 : vector<1x16xf32> to vector<16xf32>
        %swap3A_289 = vector.shape_cast %add3A_282 : vector<16xf32> to vector<1x16xf32>
        tpu.vector_store %arg11[%swap3A_285, %swap3A_286], %swap3A_289 {strides = array<i32>} : memref<200x64xf32, #tpu.memory_space<vmem>>, vector<1x16xf32>,
        %add3A_290 = arith.constant 2 : i32
        %add3A_291 = arith.addi %add3A_111, %add3A_290 : i32
        %get3A_292 = arith.index_cast %add3A_291 : i32 to index
        %get3A_293 = arith.constant 16 : index
        %get3A_294 = tpu.vector_load %arg9[%get3A_292, %get3A_293] {strides = array<i32>} : memref<200x128xf32, #tpu.memory_space<vmem>>, vector<1x16xf32>,
        %get3A_295 = vector.shape_cast %get3A_294 : vector<1x16xf32> to vector<16xf32>
        %add3A_296 = arith.constant 2 : i32
        %add3A_297 = arith.addi %add3A_111, %add3A_296 : i32
        %get3A_298 = arith.index_cast %add3A_297 : i32 to index
        %get3A_299 = arith.constant 16 : index
        %get3A_300 = tpu.vector_load %arg6[%get3A_298, %get3A_299] {strides = array<i32>} : memref<200x64xf32, #tpu.memory_space<vmem>>, vector<1x16xf32>,
        %get3A_301 = vector.shape_cast %get3A_300 : vector<1x16xf32> to vector<16xf32>
        %add3A_302 = arith.addf %get3A_295, %get3A_301 : vector<16xf32>
        %add3A_303 = arith.constant 2 : i32
        %add3A_304 = arith.addi %add3A_111, %add3A_303 : i32
        %swap3A_305 = arith.index_cast %add3A_304 : i32 to index
        %swap3A_306 = arith.constant 16 : index
        %swap3A_307 = tpu.vector_load %arg11[%swap3A_305, %swap3A_306] {strides = array<i32>} : memref<200x64xf32, #tpu.memory_space<vmem>>, vector<1x16xf32>,
        %swap3A_308 = vector.shape_cast %swap3A_307 : vector<1x16xf32> to vector<16xf32>
        %swap3A_309 = vector.shape_cast %add3A_302 : vector<16xf32> to vector<1x16xf32>
        tpu.vector_store %arg11[%swap3A_305, %swap3A_306], %swap3A_309 {strides = array<i32>} : memref<200x64xf32, #tpu.memory_space<vmem>>, vector<1x16xf32>,
        %add3A_310 = arith.constant 2 : i32
        %add3A_311 = arith.addi %add3A_111, %add3A_310 : i32
        %get3A_312 = arith.index_cast %add3A_311 : i32 to index
        %get3A_313 = arith.constant 32 : index
        %get3A_314 = tpu.vector_load %arg9[%get3A_312, %get3A_313] {strides = array<i32>} : memref<200x128xf32, #tpu.memory_space<vmem>>, vector<1x16xf32>,
        %get3A_315 = vector.shape_cast %get3A_314 : vector<1x16xf32> to vector<16xf32>
        %add3A_316 = arith.constant 2 : i32
        %add3A_317 = arith.addi %add3A_111, %add3A_316 : i32
        %get3A_318 = arith.index_cast %add3A_317 : i32 to index
        %get3A_319 = arith.constant 32 : index
        %get3A_320 = tpu.vector_load %arg6[%get3A_318, %get3A_319] {strides = array<i32>} : memref<200x64xf32, #tpu.memory_space<vmem>>, vector<1x16xf32>,
        %get3A_321 = vector.shape_cast %get3A_320 : vector<1x16xf32> to vector<16xf32>
        %add3A_322 = arith.addf %get3A_315, %get3A_321 : vector<16xf32>
        %add3A_323 = arith.constant 2 : i32
        %add3A_324 = arith.addi %add3A_111, %add3A_323 : i32
        %swap3A_325 = arith.index_cast %add3A_324 : i32 to index
        %swap3A_326 = arith.constant 32 : index
        %swap3A_327 = tpu.vector_load %arg11[%swap3A_325, %swap3A_326] {strides = array<i32>} : memref<200x64xf32, #tpu.memory_space<vmem>>, vector<1x16xf32>,
        %swap3A_328 = vector.shape_cast %swap3A_327 : vector<1x16xf32> to vector<16xf32>
        %swap3A_329 = vector.shape_cast %add3A_322 : vector<16xf32> to vector<1x16xf32>
        tpu.vector_store %arg11[%swap3A_325, %swap3A_326], %swap3A_329 {strides = array<i32>} : memref<200x64xf32, #tpu.memory_space<vmem>>, vector<1x16xf32>,
        %add3A_330 = arith.constant 2 : i32
        %add3A_331 = arith.addi %add3A_111, %add3A_330 : i32
        %get3A_332 = arith.index_cast %add3A_331 : i32 to index
        %get3A_333 = arith.constant 48 : index
        %get3A_334 = tpu.vector_load %arg9[%get3A_332, %get3A_333] {strides = array<i32>} : memref<200x128xf32, #tpu.memory_space<vmem>>, vector<1x16xf32>,
        %get3A_335 = vector.shape_cast %get3A_334 : vector<1x16xf32> to vector<16xf32>
        %add3A_336 = arith.constant 2 : i32
        %add3A_337 = arith.addi %add3A_111, %add3A_336 : i32
        %get3A_338 = arith.index_cast %add3A_337 : i32 to index
        %get3A_339 = arith.constant 48 : index
        %get3A_340 = tpu.vector_load %arg6[%get3A_338, %get3A_339] {strides = array<i32>} : memref<200x64xf32, #tpu.memory_space<vmem>>, vector<1x16xf32>,
        %get3A_341 = vector.shape_cast %get3A_340 : vector<1x16xf32> to vector<16xf32>
        %add3A_342 = arith.addf %get3A_335, %get3A_341 : vector<16xf32>
        %add3A_343 = arith.constant 2 : i32
        %add3A_344 = arith.addi %add3A_111, %add3A_343 : i32
        %swap3A_345 = arith.index_cast %add3A_344 : i32 to index
        %swap3A_346 = arith.constant 48 : index
        %swap3A_347 = tpu.vector_load %arg11[%swap3A_345, %swap3A_346] {strides = array<i32>} : memref<200x64xf32, #tpu.memory_space<vmem>>, vector<1x16xf32>,
        %swap3A_348 = vector.shape_cast %swap3A_347 : vector<1x16xf32> to vector<16xf32>
        %swap3A_349 = vector.shape_cast %add3A_342 : vector<16xf32> to vector<1x16xf32>
        tpu.vector_store %arg11[%swap3A_345, %swap3A_346], %swap3A_349 {strides = array<i32>} : memref<200x64xf32, #tpu.memory_space<vmem>>, vector<1x16xf32>,
        %add3A_350 = arith.constant 3 : i32
        %add3A_351 = arith.addi %add3A_111, %add3A_350 : i32
        %get3A_352 = arith.index_cast %add3A_351 : i32 to index
        %get3A_353 = arith.constant 0 : index
        %get3A_354 = tpu.vector_load %arg9[%get3A_352, %get3A_353] {strides = array<i32>} : memref<200x128xf32, #tpu.memory_space<vmem>>, vector<1x16xf32>,
        %get3A_355 = vector.shape_cast %get3A_354 : vector<1x16xf32> to vector<16xf32>
        %add3A_356 = arith.constant 3 : i32
        %add3A_357 = arith.addi %add3A_111, %add3A_356 : i32
        %get3A_358 = arith.index_cast %add3A_357 : i32 to index
        %get3A_359 = arith.constant 0 : index
        %get3A_360 = tpu.vector_load %arg6[%get3A_358, %get3A_359] {strides = array<i32>} : memref<200x64xf32, #tpu.memory_space<vmem>>, vector<1x16xf32>,
        %get3A_361 = vector.shape_cast %get3A_360 : vector<1x16xf32> to vector<16xf32>
        %add3A_362 = arith.addf %get3A_355, %get3A_361 : vector<16xf32>
        %add3A_363 = arith.constant 3 : i32
        %add3A_364 = arith.addi %add3A_111, %add3A_363 : i32
        %swap3A_365 = arith.index_cast %add3A_364 : i32 to index
        %swap3A_366 = arith.constant 0 : index
        %swap3A_367 = tpu.vector_load %arg11[%swap3A_365, %swap3A_366] {strides = array<i32>} : memref<200x64xf32, #tpu.memory_space<vmem>>, vector<1x16xf32>,
        %swap3A_368 = vector.shape_cast %swap3A_367 : vector<1x16xf32> to vector<16xf32>
        %swap3A_369 = vector.shape_cast %add3A_362 : vector<16xf32> to vector<1x16xf32>
        tpu.vector_store %arg11[%swap3A_365, %swap3A_366], %swap3A_369 {strides = array<i32>} : memref<200x64xf32, #tpu.memory_space<vmem>>, vector<1x16xf32>,
        %add3A_370 = arith.constant 3 : i32
        %add3A_371 = arith.addi %add3A_111, %add3A_370 : i32
        %get3A_372 = arith.index_cast %add3A_371 : i32 to index
        %get3A_373 = arith.constant 16 : index
        %get3A_374 = tpu.vector_load %arg9[%get3A_372, %get3A_373] {strides = array<i32>} : memref<200x128xf32, #tpu.memory_space<vmem>>, vector<1x16xf32>,
        %get3A_375 = vector.shape_cast %get3A_374 : vector<1x16xf32> to vector<16xf32>
        %add3A_376 = arith.constant 3 : i32
        %add3A_377 = arith.addi %add3A_111, %add3A_376 : i32
        %get3A_378 = arith.index_cast %add3A_377 : i32 to index
        %get3A_379 = arith.constant 16 : index
        %get3A_380 = tpu.vector_load %arg6[%get3A_378, %get3A_379] {strides = array<i32>} : memref<200x64xf32, #tpu.memory_space<vmem>>, vector<1x16xf32>,
        %get3A_381 = vector.shape_cast %get3A_380 : vector<1x16xf32> to vector<16xf32>
        %add3A_382 = arith.addf %get3A_375, %get3A_381 : vector<16xf32>
        %add3A_383 = arith.constant 3 : i32
        %add3A_384 = arith.addi %add3A_111, %add3A_383 : i32
        %swap3A_385 = arith.index_cast %add3A_384 : i32 to index
        %swap3A_386 = arith.constant 16 : index
        %swap3A_387 = tpu.vector_load %arg11[%swap3A_385, %swap3A_386] {strides = array<i32>} : memref<200x64xf32, #tpu.memory_space<vmem>>, vector<1x16xf32>,
        %swap3A_388 = vector.shape_cast %swap3A_387 : vector<1x16xf32> to vector<16xf32>
        %swap3A_389 = vector.shape_cast %add3A_382 : vector<16xf32> to vector<1x16xf32>
        tpu.vector_store %arg11[%swap3A_385, %swap3A_386], %swap3A_389 {strides = array<i32>} : memref<200x64xf32, #tpu.memory_space<vmem>>, vector<1x16xf32>,
        %add3A_390 = arith.constant 3 : i32
        %add3A_391 = arith.addi %add3A_111, %add3A_390 : i32
        %get3A_392 = arith.index_cast %add3A_391 : i32 to index
        %get3A_393 = arith.constant 32 : index
        %get3A_394 = tpu.vector_load %arg9[%get3A_392, %get3A_393] {strides = array<i32>} : memref<200x128xf32, #tpu.memory_space<vmem>>, vector<1x16xf32>,
        %get3A_395 = vector.shape_cast %get3A_394 : vector<1x16xf32> to vector<16xf32>
        %add3A_396 = arith.constant 3 : i32
        %add3A_397 = arith.addi %add3A_111, %add3A_396 : i32
        %get3A_398 = arith.index_cast %add3A_397 : i32 to index
        %get3A_399 = arith.constant 32 : index
        %get3A_400 = tpu.vector_load %arg6[%get3A_398, %get3A_399] {strides = array<i32>} : memref<200x64xf32, #tpu.memory_space<vmem>>, vector<1x16xf32>,
        %get3A_401 = vector.shape_cast %get3A_400 : vector<1x16xf32> to vector<16xf32>
        %add3A_402 = arith.addf %get3A_395, %get3A_401 : vector<16xf32>
        %add3A_403 = arith.constant 3 : i32
        %add3A_404 = arith.addi %add3A_111, %add3A_403 : i32
        %swap3A_405 = arith.index_cast %add3A_404 : i32 to index
        %swap3A_406 = arith.constant 32 : index
        %swap3A_407 = tpu.vector_load %arg11[%swap3A_405, %swap3A_406] {strides = array<i32>} : memref<200x64xf32, #tpu.memory_space<vmem>>, vector<1x16xf32>,
        %swap3A_408 = vector.shape_cast %swap3A_407 : vector<1x16xf32> to vector<16xf32>
        %swap3A_409 = vector.shape_cast %add3A_402 : vector<16xf32> to vector<1x16xf32>
        tpu.vector_store %arg11[%swap3A_405, %swap3A_406], %swap3A_409 {strides = array<i32>} : memref<200x64xf32, #tpu.memory_space<vmem>>, vector<1x16xf32>,
        %add3A_410 = arith.constant 3 : i32
        %add3A_411 = arith.addi %add3A_111, %add3A_410 : i32
        %get3A_412 = arith.index_cast %add3A_411 : i32 to index
        %get3A_413 = arith.constant 48 : index
        %get3A_414 = tpu.vector_load %arg9[%get3A_412, %get3A_413] {strides = array<i32>} : memref<200x128xf32, #tpu.memory_space<vmem>>, vector<1x16xf32>,
        %get3A_415 = vector.shape_cast %get3A_414 : vector<1x16xf32> to vector<16xf32>
        %add3A_416 = arith.constant 3 : i32
        %add3A_417 = arith.addi %add3A_111, %add3A_416 : i32
        %get3A_418 = arith.index_cast %add3A_417 : i32 to index
        %get3A_419 = arith.constant 48 : index
        %get3A_420 = tpu.vector_load %arg6[%get3A_418, %get3A_419] {strides = array<i32>} : memref<200x64xf32, #tpu.memory_space<vmem>>, vector<1x16xf32>,
        %get3A_421 = vector.shape_cast %get3A_420 : vector<1x16xf32> to vector<16xf32>
        %add3A_422 = arith.addf %get3A_415, %get3A_421 : vector<16xf32>
        %add3A_423 = arith.constant 3 : i32
        %add3A_424 = arith.addi %add3A_111, %add3A_423 : i32
        %swap3A_425 = arith.index_cast %add3A_424 : i32 to index
        %swap3A_426 = arith.constant 48 : index
        %swap3A_427 = tpu.vector_load %arg11[%swap3A_425, %swap3A_426] {strides = array<i32>} : memref<200x64xf32, #tpu.memory_space<vmem>>, vector<1x16xf32>,
        %swap3A_428 = vector.shape_cast %swap3A_427 : vector<1x16xf32> to vector<16xf32>
        %swap3A_429 = vector.shape_cast %add3A_422 : vector<16xf32> to vector<1x16xf32>
        tpu.vector_store %arg11[%swap3A_425, %swap3A_426], %swap3A_429 {strides = array<i32>} : memref<200x64xf32, #tpu.memory_space<vmem>>, vector<1x16xf32>,
      }
      %scan3A_60 = arith.constant 50 : i32
      %mul3A_61 = arith.constant 200 : i32
      %mul3A_62 = arith.muli %add3A_46, %mul3A_61 : i32
      %add3A_63 = arith.addi %mul3A_2, %mul3A_62 : i32
      %multiple_of3A_64 = tpu.assume_multiple %add3A_63, 8 : i32
      %dma_start3A_65 = arith.constant 0 : i32
      %dma_start3A_66 = tpu.memref_slice %arg5[%multiple_of3A_64, %dma_start3A_65] : memref<819200x64xf32, #tpu.memory_space<hbm>> -> memref<200x64xf32, #tpu.memory_space<hbm>>
      %dma_start3A_67 = arith.constant 0 : i32
      %dma_start3A_68 = tpu.memref_slice %arg5[%multiple_of3A_64, %dma_start3A_67] : memref<819200x64xf32, #tpu.memory_space<hbm>> -> memref<200x64xf32, #tpu.memory_space<hbm>>
      tpu.enqueue_dma source(%arg11 : memref<200x64xf32, #tpu.memory_space<vmem>>) target(%dma_start3A_68 : memref<200x64xf32, #tpu.memory_space<hbm>>) target_semaphore(%arg17 : memref<!tpu.dma_semaphore, #tpu.memory_space<semaphore_mem>>)
      %lt3A_69 = arith.constant 126 : i32
      %lt3A_70 = arith.cmpi slt, %add3A_46, %lt3A_69 : i32
      %convert_element_type3A_71 = arith.extui %lt3A_70 : i1 to i32
      %cond3A_72 = arith.constant 0 : i32
      %cond3A_73 = arith.cmpi ne, %convert_element_type3A_71, %cond3A_72 : i32
      scf.if %cond3A_73 {
        %add3A_107 = arith.constant 2 : i32
        %add3A_108 = arith.addi %add3A_46, %add3A_107 : i32
        %mul3A_109 = arith.constant 200 : i32
        %mul3A_110 = arith.muli %add3A_108, %mul3A_109 : i32
        %add3A_111 = arith.addi %mul3A_2, %mul3A_110 : i32
        %dma_wait3A_112 = tpu.memref_slice %arg2[%add3A_111] : memref<819200xi32, #tpu.memory_space<hbm>> -> memref<200xi32, #tpu.memory_space<hbm>>
        %dma_wait3A_113 = tpu.memref_slice %arg2[%add3A_111] : memref<819200xi32, #tpu.memory_space<hbm>> -> memref<200xi32, #tpu.memory_space<hbm>>
        tpu.wait_dma2 semaphore(%arg15 : memref<!tpu.dma_semaphore, #tpu.memory_space<semaphore_mem>>) src(%dma_wait3A_113 : memref<200xi32, #tpu.memory_space<hbm>>) dst(%arg7 : memref<200xi32, #tpu.memory_space<vmem>>)
        %add3A_114 = arith.constant 2 : i32
        %add3A_115 = arith.addi %add3A_46, %add3A_114 : i32
        %dma_start3A_116 = arith.constant 0 : i32
        %dma_start3A_117 = arith.constant 0 : i32
        %dma_start3A_118 = tpu.memref_slice %arg3[%dma_start3A_116, %dma_start3A_117] : memref<1000000x128xf32, #tpu.memory_space<hbm>> -> memref<1000000x128xf32, #tpu.memory_space<hbm>>
        tpu.enqueue_indirect_dma source(%dma_start3A_118 : memref<1000000x128xf32, #tpu.memory_space<hbm>>) target(%arg9 : memref<200x128xf32, #tpu.memory_space<vmem>>) offsets(%arg7 : memref<200xi32, #tpu.memory_space<vmem>>) semaphore(%arg13 : memref<!tpu.dma_semaphore, #tpu.memory_space<semaphore_mem>>)
      } else {
      }
      %add3A_74 = arith.constant 1 : i32
      %add3A_75 = arith.addi %add3A_44, %add3A_74 : i32
      %dma_wait3A_76 = arith.constant 0 : i32
      %dma_wait3A_77 = arith.constant 0 : i32
      %dma_wait3A_78 = tpu.memref_slice %arg3[%dma_wait3A_76, %dma_wait3A_77] : memref<1000000x128xf32, #tpu.memory_space<hbm>> -> memref<1000000x128xf32, #tpu.memory_space<hbm>>
      tpu.wait_indirect_dma semaphore(%arg14 : memref<!tpu.dma_semaphore, #tpu.memory_space<semaphore_mem>>) src(%dma_wait3A_78 : memref<1000000x128xf32, #tpu.memory_space<hbm>>) dst(%arg10 : memref<200x128xf32, #tpu.memory_space<vmem>>)
      %ge3A_79 = arith.constant 2 : i32
      %ge3A_80 = arith.cmpi sge, %add3A_75, %ge3A_79 : i32
      %convert_element_type3A_81 = arith.extui %ge3A_80 : i1 to i32
      %cond3A_82 = arith.constant 0 : i32
      %cond3A_83 = arith.cmpi ne, %convert_element_type3A_81, %cond3A_82 : i32
      scf.if %cond3A_83 {
        %sub3A = arith.constant 2 : i32
        %sub3A_107 = arith.subi %add3A_75, %sub3A : i32
        %mul3A_108 = arith.constant 200 : i32
        %mul3A_109 = arith.muli %sub3A_107, %mul3A_108 : i32
        %add3A_110 = arith.addi %mul3A_2, %mul3A_109 : i32
        %multiple_of3A_111 = tpu.assume_multiple %add3A_110, 8 : i32
        %dma_wait3A_112 = arith.constant 0 : i32
        %dma_wait3A_113 = tpu.memref_slice %arg5[%multiple_of3A_111, %dma_wait3A_112] : memref<819200x64xf32, #tpu.memory_space<hbm>> -> memref<200x64xf32, #tpu.memory_space<hbm>>
        %dma_wait3A_114 = arith.constant 0 : i32
        %dma_wait3A_115 = tpu.memref_slice %arg5[%multiple_of3A_111, %dma_wait3A_114] : memref<819200x64xf32, #tpu.memory_space<hbm>> -> memref<200x64xf32, #tpu.memory_space<hbm>>
        tpu.wait_dma2 semaphore(%arg18 : memref<!tpu.dma_semaphore, #tpu.memory_space<semaphore_mem>>) src(%arg12 : memref<200x64xf32, #tpu.memory_space<vmem>>) dst(%dma_wait3A_115 : memref<200x64xf32, #tpu.memory_space<hbm>>)
      } else {
      }
      %lt3A_84 = arith.constant 126 : i32
      %lt3A_85 = arith.cmpi slt, %add3A_75, %lt3A_84 : i32
      %convert_element_type3A_86 = arith.extui %lt3A_85 : i1 to i32
      %cond3A_87 = arith.constant 0 : i32
      %cond3A_88 = arith.cmpi ne, %convert_element_type3A_86, %cond3A_87 : i32
      scf.if %cond3A_88 {
        %add3A_107 = arith.constant 2 : i32
        %add3A_108 = arith.addi %add3A_75, %add3A_107 : i32
        %mul3A_109 = arith.constant 200 : i32
        %mul3A_110 = arith.muli %add3A_108, %mul3A_109 : i32
        %add3A_111 = arith.addi %mul3A_2, %mul3A_110 : i32
        %dma_start3A_112 = tpu.memref_slice %arg2[%add3A_111] : memref<819200xi32, #tpu.memory_space<hbm>> -> memref<200xi32, #tpu.memory_space<hbm>>
        %dma_start3A_113 = tpu.memref_slice %arg2[%add3A_111] : memref<819200xi32, #tpu.memory_space<hbm>> -> memref<200xi32, #tpu.memory_space<hbm>>
        tpu.enqueue_dma source(%dma_start3A_113 : memref<200xi32, #tpu.memory_space<hbm>>) target(%arg8 : memref<200xi32, #tpu.memory_space<vmem>>) target_semaphore(%arg16 : memref<!tpu.dma_semaphore, #tpu.memory_space<semaphore_mem>>)
      } else {
      }
      %scan3A_89 = arith.constant 0 : i32
      %scan3A_90 = arith.constant 50 : i32
      %scan3A_91 = arith.addi %scan3A_89, %scan3A_90 : i32
      %scan3A_92 = arith.constant 1 : i32
      scf.for %scan3A_107 = %scan3A_89 to %scan3A_91 step %scan3A_92  : i32 {
        %mul3A_108 = arith.constant 4 : i32
        %mul3A_109 = arith.muli %scan3A_107, %mul3A_108 : i32
        %add3A_110 = arith.constant 0 : i32
        %add3A_111 = arith.addi %add3A_110, %mul3A_109 : i32
        %add3A_112 = arith.constant 0 : i32
        %add3A_113 = arith.addi %add3A_111, %add3A_112 : i32
        %get3A = arith.index_cast %add3A_113 : i32 to index
        %get3A_114 = arith.constant 0 : index
        %get3A_115 = tpu.vector_load %arg10[%get3A, %get3A_114] {strides = array<i32>} : memref<200x128xf32, #tpu.memory_space<vmem>>, vector<1x16xf32>,
        %get3A_116 = vector.shape_cast %get3A_115 : vector<1x16xf32> to vector<16xf32>
        %add3A_117 = arith.constant 0 : i32
        %add3A_118 = arith.addi %add3A_111, %add3A_117 : i32
        %get3A_119 = arith.index_cast %add3A_118 : i32 to index
        %get3A_120 = arith.constant 0 : index
        %get3A_121 = tpu.vector_load %arg6[%get3A_119, %get3A_120] {strides = array<i32>} : memref<200x64xf32, #tpu.memory_space<vmem>>, vector<1x16xf32>,
        %get3A_122 = vector.shape_cast %get3A_121 : vector<1x16xf32> to vector<16xf32>
        %add3A_123 = arith.addf %get3A_116, %get3A_122 : vector<16xf32>
        %add3A_124 = arith.constant 0 : i32
        %add3A_125 = arith.addi %add3A_111, %add3A_124 : i32
        %swap3A = arith.index_cast %add3A_125 : i32 to index
        %swap3A_126 = arith.constant 0 : index
        %swap3A_127 = tpu.vector_load %arg12[%swap3A, %swap3A_126] {strides = array<i32>} : memref<200x64xf32, #tpu.memory_space<vmem>>, vector<1x16xf32>,
        %swap3A_128 = vector.shape_cast %swap3A_127 : vector<1x16xf32> to vector<16xf32>
        %swap3A_129 = vector.shape_cast %add3A_123 : vector<16xf32> to vector<1x16xf32>
        tpu.vector_store %arg12[%swap3A, %swap3A_126], %swap3A_129 {strides = array<i32>} : memref<200x64xf32, #tpu.memory_space<vmem>>, vector<1x16xf32>,
        %add3A_130 = arith.constant 0 : i32
        %add3A_131 = arith.addi %add3A_111, %add3A_130 : i32
        %get3A_132 = arith.index_cast %add3A_131 : i32 to index
        %get3A_133 = arith.constant 16 : index
        %get3A_134 = tpu.vector_load %arg10[%get3A_132, %get3A_133] {strides = array<i32>} : memref<200x128xf32, #tpu.memory_space<vmem>>, vector<1x16xf32>,
        %get3A_135 = vector.shape_cast %get3A_134 : vector<1x16xf32> to vector<16xf32>
        %add3A_136 = arith.constant 0 : i32
        %add3A_137 = arith.addi %add3A_111, %add3A_136 : i32
        %get3A_138 = arith.index_cast %add3A_137 : i32 to index
        %get3A_139 = arith.constant 16 : index
        %get3A_140 = tpu.vector_load %arg6[%get3A_138, %get3A_139] {strides = array<i32>} : memref<200x64xf32, #tpu.memory_space<vmem>>, vector<1x16xf32>,
        %get3A_141 = vector.shape_cast %get3A_140 : vector<1x16xf32> to vector<16xf32>
        %add3A_142 = arith.addf %get3A_135, %get3A_141 : vector<16xf32>
        %add3A_143 = arith.constant 0 : i32
        %add3A_144 = arith.addi %add3A_111, %add3A_143 : i32
        %swap3A_145 = arith.index_cast %add3A_144 : i32 to index
        %swap3A_146 = arith.constant 16 : index
        %swap3A_147 = tpu.vector_load %arg12[%swap3A_145, %swap3A_146] {strides = array<i32>} : memref<200x64xf32, #tpu.memory_space<vmem>>, vector<1x16xf32>,
        %swap3A_148 = vector.shape_cast %swap3A_147 : vector<1x16xf32> to vector<16xf32>
        %swap3A_149 = vector.shape_cast %add3A_142 : vector<16xf32> to vector<1x16xf32>
        tpu.vector_store %arg12[%swap3A_145, %swap3A_146], %swap3A_149 {strides = array<i32>} : memref<200x64xf32, #tpu.memory_space<vmem>>, vector<1x16xf32>,
        %add3A_150 = arith.constant 0 : i32
        %add3A_151 = arith.addi %add3A_111, %add3A_150 : i32
        %get3A_152 = arith.index_cast %add3A_151 : i32 to index
        %get3A_153 = arith.constant 32 : index
        %get3A_154 = tpu.vector_load %arg10[%get3A_152, %get3A_153] {strides = array<i32>} : memref<200x128xf32, #tpu.memory_space<vmem>>, vector<1x16xf32>,
        %get3A_155 = vector.shape_cast %get3A_154 : vector<1x16xf32> to vector<16xf32>
        %add3A_156 = arith.constant 0 : i32
        %add3A_157 = arith.addi %add3A_111, %add3A_156 : i32
        %get3A_158 = arith.index_cast %add3A_157 : i32 to index
        %get3A_159 = arith.constant 32 : index
        %get3A_160 = tpu.vector_load %arg6[%get3A_158, %get3A_159] {strides = array<i32>} : memref<200x64xf32, #tpu.memory_space<vmem>>, vector<1x16xf32>,
        %get3A_161 = vector.shape_cast %get3A_160 : vector<1x16xf32> to vector<16xf32>
        %add3A_162 = arith.addf %get3A_155, %get3A_161 : vector<16xf32>
        %add3A_163 = arith.constant 0 : i32
        %add3A_164 = arith.addi %add3A_111, %add3A_163 : i32
        %swap3A_165 = arith.index_cast %add3A_164 : i32 to index
        %swap3A_166 = arith.constant 32 : index
        %swap3A_167 = tpu.vector_load %arg12[%swap3A_165, %swap3A_166] {strides = array<i32>} : memref<200x64xf32, #tpu.memory_space<vmem>>, vector<1x16xf32>,
        %swap3A_168 = vector.shape_cast %swap3A_167 : vector<1x16xf32> to vector<16xf32>
        %swap3A_169 = vector.shape_cast %add3A_162 : vector<16xf32> to vector<1x16xf32>
        tpu.vector_store %arg12[%swap3A_165, %swap3A_166], %swap3A_169 {strides = array<i32>} : memref<200x64xf32, #tpu.memory_space<vmem>>, vector<1x16xf32>,
        %add3A_170 = arith.constant 0 : i32
        %add3A_171 = arith.addi %add3A_111, %add3A_170 : i32
        %get3A_172 = arith.index_cast %add3A_171 : i32 to index
        %get3A_173 = arith.constant 48 : index
        %get3A_174 = tpu.vector_load %arg10[%get3A_172, %get3A_173] {strides = array<i32>} : memref<200x128xf32, #tpu.memory_space<vmem>>, vector<1x16xf32>,
        %get3A_175 = vector.shape_cast %get3A_174 : vector<1x16xf32> to vector<16xf32>
        %add3A_176 = arith.constant 0 : i32
        %add3A_177 = arith.addi %add3A_111, %add3A_176 : i32
        %get3A_178 = arith.index_cast %add3A_177 : i32 to index
        %get3A_179 = arith.constant 48 : index
        %get3A_180 = tpu.vector_load %arg6[%get3A_178, %get3A_179] {strides = array<i32>} : memref<200x64xf32, #tpu.memory_space<vmem>>, vector<1x16xf32>,
        %get3A_181 = vector.shape_cast %get3A_180 : vector<1x16xf32> to vector<16xf32>
        %add3A_182 = arith.addf %get3A_175, %get3A_181 : vector<16xf32>
        %add3A_183 = arith.constant 0 : i32
        %add3A_184 = arith.addi %add3A_111, %add3A_183 : i32
        %swap3A_185 = arith.index_cast %add3A_184 : i32 to index
        %swap3A_186 = arith.constant 48 : index
        %swap3A_187 = tpu.vector_load %arg12[%swap3A_185, %swap3A_186] {strides = array<i32>} : memref<200x64xf32, #tpu.memory_space<vmem>>, vector<1x16xf32>,
        %swap3A_188 = vector.shape_cast %swap3A_187 : vector<1x16xf32> to vector<16xf32>
        %swap3A_189 = vector.shape_cast %add3A_182 : vector<16xf32> to vector<1x16xf32>
        tpu.vector_store %arg12[%swap3A_185, %swap3A_186], %swap3A_189 {strides = array<i32>} : memref<200x64xf32, #tpu.memory_space<vmem>>, vector<1x16xf32>,
        %add3A_190 = arith.constant 1 : i32
        %add3A_191 = arith.addi %add3A_111, %add3A_190 : i32
        %get3A_192 = arith.index_cast %add3A_191 : i32 to index
        %get3A_193 = arith.constant 0 : index
        %get3A_194 = tpu.vector_load %arg10[%get3A_192, %get3A_193] {strides = array<i32>} : memref<200x128xf32, #tpu.memory_space<vmem>>, vector<1x16xf32>,
        %get3A_195 = vector.shape_cast %get3A_194 : vector<1x16xf32> to vector<16xf32>
        %add3A_196 = arith.constant 1 : i32
        %add3A_197 = arith.addi %add3A_111, %add3A_196 : i32
        %get3A_198 = arith.index_cast %add3A_197 : i32 to index
        %get3A_199 = arith.constant 0 : index
        %get3A_200 = tpu.vector_load %arg6[%get3A_198, %get3A_199] {strides = array<i32>} : memref<200x64xf32, #tpu.memory_space<vmem>>, vector<1x16xf32>,
        %get3A_201 = vector.shape_cast %get3A_200 : vector<1x16xf32> to vector<16xf32>
        %add3A_202 = arith.addf %get3A_195, %get3A_201 : vector<16xf32>
        %add3A_203 = arith.constant 1 : i32
        %add3A_204 = arith.addi %add3A_111, %add3A_203 : i32
        %swap3A_205 = arith.index_cast %add3A_204 : i32 to index
        %swap3A_206 = arith.constant 0 : index
        %swap3A_207 = tpu.vector_load %arg12[%swap3A_205, %swap3A_206] {strides = array<i32>} : memref<200x64xf32, #tpu.memory_space<vmem>>, vector<1x16xf32>,
        %swap3A_208 = vector.shape_cast %swap3A_207 : vector<1x16xf32> to vector<16xf32>
        %swap3A_209 = vector.shape_cast %add3A_202 : vector<16xf32> to vector<1x16xf32>
        tpu.vector_store %arg12[%swap3A_205, %swap3A_206], %swap3A_209 {strides = array<i32>} : memref<200x64xf32, #tpu.memory_space<vmem>>, vector<1x16xf32>,
        %add3A_210 = arith.constant 1 : i32
        %add3A_211 = arith.addi %add3A_111, %add3A_210 : i32
        %get3A_212 = arith.index_cast %add3A_211 : i32 to index
        %get3A_213 = arith.constant 16 : index
        %get3A_214 = tpu.vector_load %arg10[%get3A_212, %get3A_213] {strides = array<i32>} : memref<200x128xf32, #tpu.memory_space<vmem>>, vector<1x16xf32>,
        %get3A_215 = vector.shape_cast %get3A_214 : vector<1x16xf32> to vector<16xf32>
        %add3A_216 = arith.constant 1 : i32
        %add3A_217 = arith.addi %add3A_111, %add3A_216 : i32
        %get3A_218 = arith.index_cast %add3A_217 : i32 to index
        %get3A_219 = arith.constant 16 : index
        %get3A_220 = tpu.vector_load %arg6[%get3A_218, %get3A_219] {strides = array<i32>} : memref<200x64xf32, #tpu.memory_space<vmem>>, vector<1x16xf32>,
        %get3A_221 = vector.shape_cast %get3A_220 : vector<1x16xf32> to vector<16xf32>
        %add3A_222 = arith.addf %get3A_215, %get3A_221 : vector<16xf32>
        %add3A_223 = arith.constant 1 : i32
        %add3A_224 = arith.addi %add3A_111, %add3A_223 : i32
        %swap3A_225 = arith.index_cast %add3A_224 : i32 to index
        %swap3A_226 = arith.constant 16 : index
        %swap3A_227 = tpu.vector_load %arg12[%swap3A_225, %swap3A_226] {strides = array<i32>} : memref<200x64xf32, #tpu.memory_space<vmem>>, vector<1x16xf32>,
        %swap3A_228 = vector.shape_cast %swap3A_227 : vector<1x16xf32> to vector<16xf32>
        %swap3A_229 = vector.shape_cast %add3A_222 : vector<16xf32> to vector<1x16xf32>
        tpu.vector_store %arg12[%swap3A_225, %swap3A_226], %swap3A_229 {strides = array<i32>} : memref<200x64xf32, #tpu.memory_space<vmem>>, vector<1x16xf32>,
        %add3A_230 = arith.constant 1 : i32
        %add3A_231 = arith.addi %add3A_111, %add3A_230 : i32
        %get3A_232 = arith.index_cast %add3A_231 : i32 to index
        %get3A_233 = arith.constant 32 : index
        %get3A_234 = tpu.vector_load %arg10[%get3A_232, %get3A_233] {strides = array<i32>} : memref<200x128xf32, #tpu.memory_space<vmem>>, vector<1x16xf32>,
        %get3A_235 = vector.shape_cast %get3A_234 : vector<1x16xf32> to vector<16xf32>
        %add3A_236 = arith.constant 1 : i32
        %add3A_237 = arith.addi %add3A_111, %add3A_236 : i32
        %get3A_238 = arith.index_cast %add3A_237 : i32 to index
        %get3A_239 = arith.constant 32 : index
        %get3A_240 = tpu.vector_load %arg6[%get3A_238, %get3A_239] {strides = array<i32>} : memref<200x64xf32, #tpu.memory_space<vmem>>, vector<1x16xf32>,
        %get3A_241 = vector.shape_cast %get3A_240 : vector<1x16xf32> to vector<16xf32>
        %add3A_242 = arith.addf %get3A_235, %get3A_241 : vector<16xf32>
        %add3A_243 = arith.constant 1 : i32
        %add3A_244 = arith.addi %add3A_111, %add3A_243 : i32
        %swap3A_245 = arith.index_cast %add3A_244 : i32 to index
        %swap3A_246 = arith.constant 32 : index
        %swap3A_247 = tpu.vector_load %arg12[%swap3A_245, %swap3A_246] {strides = array<i32>} : memref<200x64xf32, #tpu.memory_space<vmem>>, vector<1x16xf32>,
        %swap3A_248 = vector.shape_cast %swap3A_247 : vector<1x16xf32> to vector<16xf32>
        %swap3A_249 = vector.shape_cast %add3A_242 : vector<16xf32> to vector<1x16xf32>
        tpu.vector_store %arg12[%swap3A_245, %swap3A_246], %swap3A_249 {strides = array<i32>} : memref<200x64xf32, #tpu.memory_space<vmem>>, vector<1x16xf32>,
        %add3A_250 = arith.constant 1 : i32
        %add3A_251 = arith.addi %add3A_111, %add3A_250 : i32
        %get3A_252 = arith.index_cast %add3A_251 : i32 to index
        %get3A_253 = arith.constant 48 : index
        %get3A_254 = tpu.vector_load %arg10[%get3A_252, %get3A_253] {strides = array<i32>} : memref<200x128xf32, #tpu.memory_space<vmem>>, vector<1x16xf32>,
        %get3A_255 = vector.shape_cast %get3A_254 : vector<1x16xf32> to vector<16xf32>
        %add3A_256 = arith.constant 1 : i32
        %add3A_257 = arith.addi %add3A_111, %add3A_256 : i32
        %get3A_258 = arith.index_cast %add3A_257 : i32 to index
        %get3A_259 = arith.constant 48 : index
        %get3A_260 = tpu.vector_load %arg6[%get3A_258, %get3A_259] {strides = array<i32>} : memref<200x64xf32, #tpu.memory_space<vmem>>, vector<1x16xf32>,
        %get3A_261 = vector.shape_cast %get3A_260 : vector<1x16xf32> to vector<16xf32>
        %add3A_262 = arith.addf %get3A_255, %get3A_261 : vector<16xf32>
        %add3A_263 = arith.constant 1 : i32
        %add3A_264 = arith.addi %add3A_111, %add3A_263 : i32
        %swap3A_265 = arith.index_cast %add3A_264 : i32 to index
        %swap3A_266 = arith.constant 48 : index
        %swap3A_267 = tpu.vector_load %arg12[%swap3A_265, %swap3A_266] {strides = array<i32>} : memref<200x64xf32, #tpu.memory_space<vmem>>, vector<1x16xf32>,
        %swap3A_268 = vector.shape_cast %swap3A_267 : vector<1x16xf32> to vector<16xf32>
        %swap3A_269 = vector.shape_cast %add3A_262 : vector<16xf32> to vector<1x16xf32>
        tpu.vector_store %arg12[%swap3A_265, %swap3A_266], %swap3A_269 {strides = array<i32>} : memref<200x64xf32, #tpu.memory_space<vmem>>, vector<1x16xf32>,
        %add3A_270 = arith.constant 2 : i32
        %add3A_271 = arith.addi %add3A_111, %add3A_270 : i32
        %get3A_272 = arith.index_cast %add3A_271 : i32 to index
        %get3A_273 = arith.constant 0 : index
        %get3A_274 = tpu.vector_load %arg10[%get3A_272, %get3A_273] {strides = array<i32>} : memref<200x128xf32, #tpu.memory_space<vmem>>, vector<1x16xf32>,
        %get3A_275 = vector.shape_cast %get3A_274 : vector<1x16xf32> to vector<16xf32>
        %add3A_276 = arith.constant 2 : i32
        %add3A_277 = arith.addi %add3A_111, %add3A_276 : i32
        %get3A_278 = arith.index_cast %add3A_277 : i32 to index
        %get3A_279 = arith.constant 0 : index
        %get3A_280 = tpu.vector_load %arg6[%get3A_278, %get3A_279] {strides = array<i32>} : memref<200x64xf32, #tpu.memory_space<vmem>>, vector<1x16xf32>,
        %get3A_281 = vector.shape_cast %get3A_280 : vector<1x16xf32> to vector<16xf32>
        %add3A_282 = arith.addf %get3A_275, %get3A_281 : vector<16xf32>
        %add3A_283 = arith.constant 2 : i32
        %add3A_284 = arith.addi %add3A_111, %add3A_283 : i32
        %swap3A_285 = arith.index_cast %add3A_284 : i32 to index
        %swap3A_286 = arith.constant 0 : index
        %swap3A_287 = tpu.vector_load %arg12[%swap3A_285, %swap3A_286] {strides = array<i32>} : memref<200x64xf32, #tpu.memory_space<vmem>>, vector<1x16xf32>,
        %swap3A_288 = vector.shape_cast %swap3A_287 : vector<1x16xf32> to vector<16xf32>
        %swap3A_289 = vector.shape_cast %add3A_282 : vector<16xf32> to vector<1x16xf32>
        tpu.vector_store %arg12[%swap3A_285, %swap3A_286], %swap3A_289 {strides = array<i32>} : memref<200x64xf32, #tpu.memory_space<vmem>>, vector<1x16xf32>,
        %add3A_290 = arith.constant 2 : i32
        %add3A_291 = arith.addi %add3A_111, %add3A_290 : i32
        %get3A_292 = arith.index_cast %add3A_291 : i32 to index
        %get3A_293 = arith.constant 16 : index
        %get3A_294 = tpu.vector_load %arg10[%get3A_292, %get3A_293] {strides = array<i32>} : memref<200x128xf32, #tpu.memory_space<vmem>>, vector<1x16xf32>,
        %get3A_295 = vector.shape_cast %get3A_294 : vector<1x16xf32> to vector<16xf32>
        %add3A_296 = arith.constant 2 : i32
        %add3A_297 = arith.addi %add3A_111, %add3A_296 : i32
        %get3A_298 = arith.index_cast %add3A_297 : i32 to index
        %get3A_299 = arith.constant 16 : index
        %get3A_300 = tpu.vector_load %arg6[%get3A_298, %get3A_299] {strides = array<i32>} : memref<200x64xf32, #tpu.memory_space<vmem>>, vector<1x16xf32>,
        %get3A_301 = vector.shape_cast %get3A_300 : vector<1x16xf32> to vector<16xf32>
        %add3A_302 = arith.addf %get3A_295, %get3A_301 : vector<16xf32>
        %add3A_303 = arith.constant 2 : i32
        %add3A_304 = arith.addi %add3A_111, %add3A_303 : i32
        %swap3A_305 = arith.index_cast %add3A_304 : i32 to index
        %swap3A_306 = arith.constant 16 : index
        %swap3A_307 = tpu.vector_load %arg12[%swap3A_305, %swap3A_306] {strides = array<i32>} : memref<200x64xf32, #tpu.memory_space<vmem>>, vector<1x16xf32>,
        %swap3A_308 = vector.shape_cast %swap3A_307 : vector<1x16xf32> to vector<16xf32>
        %swap3A_309 = vector.shape_cast %add3A_302 : vector<16xf32> to vector<1x16xf32>
        tpu.vector_store %arg12[%swap3A_305, %swap3A_306], %swap3A_309 {strides = array<i32>} : memref<200x64xf32, #tpu.memory_space<vmem>>, vector<1x16xf32>,
        %add3A_310 = arith.constant 2 : i32
        %add3A_311 = arith.addi %add3A_111, %add3A_310 : i32
        %get3A_312 = arith.index_cast %add3A_311 : i32 to index
        %get3A_313 = arith.constant 32 : index
        %get3A_314 = tpu.vector_load %arg10[%get3A_312, %get3A_313] {strides = array<i32>} : memref<200x128xf32, #tpu.memory_space<vmem>>, vector<1x16xf32>,
        %get3A_315 = vector.shape_cast %get3A_314 : vector<1x16xf32> to vector<16xf32>
        %add3A_316 = arith.constant 2 : i32
        %add3A_317 = arith.addi %add3A_111, %add3A_316 : i32
        %get3A_318 = arith.index_cast %add3A_317 : i32 to index
        %get3A_319 = arith.constant 32 : index
        %get3A_320 = tpu.vector_load %arg6[%get3A_318, %get3A_319] {strides = array<i32>} : memref<200x64xf32, #tpu.memory_space<vmem>>, vector<1x16xf32>,
        %get3A_321 = vector.shape_cast %get3A_320 : vector<1x16xf32> to vector<16xf32>
        %add3A_322 = arith.addf %get3A_315, %get3A_321 : vector<16xf32>
        %add3A_323 = arith.constant 2 : i32
        %add3A_324 = arith.addi %add3A_111, %add3A_323 : i32
        %swap3A_325 = arith.index_cast %add3A_324 : i32 to index
        %swap3A_326 = arith.constant 32 : index
        %swap3A_327 = tpu.vector_load %arg12[%swap3A_325, %swap3A_326] {strides = array<i32>} : memref<200x64xf32, #tpu.memory_space<vmem>>, vector<1x16xf32>,
        %swap3A_328 = vector.shape_cast %swap3A_327 : vector<1x16xf32> to vector<16xf32>
        %swap3A_329 = vector.shape_cast %add3A_322 : vector<16xf32> to vector<1x16xf32>
        tpu.vector_store %arg12[%swap3A_325, %swap3A_326], %swap3A_329 {strides = array<i32>} : memref<200x64xf32, #tpu.memory_space<vmem>>, vector<1x16xf32>,
        %add3A_330 = arith.constant 2 : i32
        %add3A_331 = arith.addi %add3A_111, %add3A_330 : i32
        %get3A_332 = arith.index_cast %add3A_331 : i32 to index
        %get3A_333 = arith.constant 48 : index
        %get3A_334 = tpu.vector_load %arg10[%get3A_332, %get3A_333] {strides = array<i32>} : memref<200x128xf32, #tpu.memory_space<vmem>>, vector<1x16xf32>,
        %get3A_335 = vector.shape_cast %get3A_334 : vector<1x16xf32> to vector<16xf32>
        %add3A_336 = arith.constant 2 : i32
        %add3A_337 = arith.addi %add3A_111, %add3A_336 : i32
        %get3A_338 = arith.index_cast %add3A_337 : i32 to index
        %get3A_339 = arith.constant 48 : index
        %get3A_340 = tpu.vector_load %arg6[%get3A_338, %get3A_339] {strides = array<i32>} : memref<200x64xf32, #tpu.memory_space<vmem>>, vector<1x16xf32>,
        %get3A_341 = vector.shape_cast %get3A_340 : vector<1x16xf32> to vector<16xf32>
        %add3A_342 = arith.addf %get3A_335, %get3A_341 : vector<16xf32>
        %add3A_343 = arith.constant 2 : i32
        %add3A_344 = arith.addi %add3A_111, %add3A_343 : i32
        %swap3A_345 = arith.index_cast %add3A_344 : i32 to index
        %swap3A_346 = arith.constant 48 : index
        %swap3A_347 = tpu.vector_load %arg12[%swap3A_345, %swap3A_346] {strides = array<i32>} : memref<200x64xf32, #tpu.memory_space<vmem>>, vector<1x16xf32>,
        %swap3A_348 = vector.shape_cast %swap3A_347 : vector<1x16xf32> to vector<16xf32>
        %swap3A_349 = vector.shape_cast %add3A_342 : vector<16xf32> to vector<1x16xf32>
        tpu.vector_store %arg12[%swap3A_345, %swap3A_346], %swap3A_349 {strides = array<i32>} : memref<200x64xf32, #tpu.memory_space<vmem>>, vector<1x16xf32>,
        %add3A_350 = arith.constant 3 : i32
        %add3A_351 = arith.addi %add3A_111, %add3A_350 : i32
        %get3A_352 = arith.index_cast %add3A_351 : i32 to index
        %get3A_353 = arith.constant 0 : index
        %get3A_354 = tpu.vector_load %arg10[%get3A_352, %get3A_353] {strides = array<i32>} : memref<200x128xf32, #tpu.memory_space<vmem>>, vector<1x16xf32>,
        %get3A_355 = vector.shape_cast %get3A_354 : vector<1x16xf32> to vector<16xf32>
        %add3A_356 = arith.constant 3 : i32
        %add3A_357 = arith.addi %add3A_111, %add3A_356 : i32
        %get3A_358 = arith.index_cast %add3A_357 : i32 to index
        %get3A_359 = arith.constant 0 : index
        %get3A_360 = tpu.vector_load %arg6[%get3A_358, %get3A_359] {strides = array<i32>} : memref<200x64xf32, #tpu.memory_space<vmem>>, vector<1x16xf32>,
        %get3A_361 = vector.shape_cast %get3A_360 : vector<1x16xf32> to vector<16xf32>
        %add3A_362 = arith.addf %get3A_355, %get3A_361 : vector<16xf32>
        %add3A_363 = arith.constant 3 : i32
        %add3A_364 = arith.addi %add3A_111, %add3A_363 : i32
        %swap3A_365 = arith.index_cast %add3A_364 : i32 to index
        %swap3A_366 = arith.constant 0 : index
        %swap3A_367 = tpu.vector_load %arg12[%swap3A_365, %swap3A_366] {strides = array<i32>} : memref<200x64xf32, #tpu.memory_space<vmem>>, vector<1x16xf32>,
        %swap3A_368 = vector.shape_cast %swap3A_367 : vector<1x16xf32> to vector<16xf32>
        %swap3A_369 = vector.shape_cast %add3A_362 : vector<16xf32> to vector<1x16xf32>
        tpu.vector_store %arg12[%swap3A_365, %swap3A_366], %swap3A_369 {strides = array<i32>} : memref<200x64xf32, #tpu.memory_space<vmem>>, vector<1x16xf32>,
        %add3A_370 = arith.constant 3 : i32
        %add3A_371 = arith.addi %add3A_111, %add3A_370 : i32
        %get3A_372 = arith.index_cast %add3A_371 : i32 to index
        %get3A_373 = arith.constant 16 : index
        %get3A_374 = tpu.vector_load %arg10[%get3A_372, %get3A_373] {strides = array<i32>} : memref<200x128xf32, #tpu.memory_space<vmem>>, vector<1x16xf32>,
        %get3A_375 = vector.shape_cast %get3A_374 : vector<1x16xf32> to vector<16xf32>
        %add3A_376 = arith.constant 3 : i32
        %add3A_377 = arith.addi %add3A_111, %add3A_376 : i32
        %get3A_378 = arith.index_cast %add3A_377 : i32 to index
        %get3A_379 = arith.constant 16 : index
        %get3A_380 = tpu.vector_load %arg6[%get3A_378, %get3A_379] {strides = array<i32>} : memref<200x64xf32, #tpu.memory_space<vmem>>, vector<1x16xf32>,
        %get3A_381 = vector.shape_cast %get3A_380 : vector<1x16xf32> to vector<16xf32>
        %add3A_382 = arith.addf %get3A_375, %get3A_381 : vector<16xf32>
        %add3A_383 = arith.constant 3 : i32
        %add3A_384 = arith.addi %add3A_111, %add3A_383 : i32
        %swap3A_385 = arith.index_cast %add3A_384 : i32 to index
        %swap3A_386 = arith.constant 16 : index
        %swap3A_387 = tpu.vector_load %arg12[%swap3A_385, %swap3A_386] {strides = array<i32>} : memref<200x64xf32, #tpu.memory_space<vmem>>, vector<1x16xf32>,
        %swap3A_388 = vector.shape_cast %swap3A_387 : vector<1x16xf32> to vector<16xf32>
        %swap3A_389 = vector.shape_cast %add3A_382 : vector<16xf32> to vector<1x16xf32>
        tpu.vector_store %arg12[%swap3A_385, %swap3A_386], %swap3A_389 {strides = array<i32>} : memref<200x64xf32, #tpu.memory_space<vmem>>, vector<1x16xf32>,
        %add3A_390 = arith.constant 3 : i32
        %add3A_391 = arith.addi %add3A_111, %add3A_390 : i32
        %get3A_392 = arith.index_cast %add3A_391 : i32 to index
        %get3A_393 = arith.constant 32 : index
        %get3A_394 = tpu.vector_load %arg10[%get3A_392, %get3A_393] {strides = array<i32>} : memref<200x128xf32, #tpu.memory_space<vmem>>, vector<1x16xf32>,
        %get3A_395 = vector.shape_cast %get3A_394 : vector<1x16xf32> to vector<16xf32>
        %add3A_396 = arith.constant 3 : i32
        %add3A_397 = arith.addi %add3A_111, %add3A_396 : i32
        %get3A_398 = arith.index_cast %add3A_397 : i32 to index
        %get3A_399 = arith.constant 32 : index
        %get3A_400 = tpu.vector_load %arg6[%get3A_398, %get3A_399] {strides = array<i32>} : memref<200x64xf32, #tpu.memory_space<vmem>>, vector<1x16xf32>,
        %get3A_401 = vector.shape_cast %get3A_400 : vector<1x16xf32> to vector<16xf32>
        %add3A_402 = arith.addf %get3A_395, %get3A_401 : vector<16xf32>
        %add3A_403 = arith.constant 3 : i32
        %add3A_404 = arith.addi %add3A_111, %add3A_403 : i32
        %swap3A_405 = arith.index_cast %add3A_404 : i32 to index
        %swap3A_406 = arith.constant 32 : index
        %swap3A_407 = tpu.vector_load %arg12[%swap3A_405, %swap3A_406] {strides = array<i32>} : memref<200x64xf32, #tpu.memory_space<vmem>>, vector<1x16xf32>,
        %swap3A_408 = vector.shape_cast %swap3A_407 : vector<1x16xf32> to vector<16xf32>
        %swap3A_409 = vector.shape_cast %add3A_402 : vector<16xf32> to vector<1x16xf32>
        tpu.vector_store %arg12[%swap3A_405, %swap3A_406], %swap3A_409 {strides = array<i32>} : memref<200x64xf32, #tpu.memory_space<vmem>>, vector<1x16xf32>,
        %add3A_410 = arith.constant 3 : i32
        %add3A_411 = arith.addi %add3A_111, %add3A_410 : i32
        %get3A_412 = arith.index_cast %add3A_411 : i32 to index
        %get3A_413 = arith.constant 48 : index
        %get3A_414 = tpu.vector_load %arg10[%get3A_412, %get3A_413] {strides = array<i32>} : memref<200x128xf32, #tpu.memory_space<vmem>>, vector<1x16xf32>,
        %get3A_415 = vector.shape_cast %get3A_414 : vector<1x16xf32> to vector<16xf32>
        %add3A_416 = arith.constant 3 : i32
        %add3A_417 = arith.addi %add3A_111, %add3A_416 : i32
        %get3A_418 = arith.index_cast %add3A_417 : i32 to index
        %get3A_419 = arith.constant 48 : index
        %get3A_420 = tpu.vector_load %arg6[%get3A_418, %get3A_419] {strides = array<i32>} : memref<200x64xf32, #tpu.memory_space<vmem>>, vector<1x16xf32>,
        %get3A_421 = vector.shape_cast %get3A_420 : vector<1x16xf32> to vector<16xf32>
        %add3A_422 = arith.addf %get3A_415, %get3A_421 : vector<16xf32>
        %add3A_423 = arith.constant 3 : i32
        %add3A_424 = arith.addi %add3A_111, %add3A_423 : i32
        %swap3A_425 = arith.index_cast %add3A_424 : i32 to index
        %swap3A_426 = arith.constant 48 : index
        %swap3A_427 = tpu.vector_load %arg12[%swap3A_425, %swap3A_426] {strides = array<i32>} : memref<200x64xf32, #tpu.memory_space<vmem>>, vector<1x16xf32>,
        %swap3A_428 = vector.shape_cast %swap3A_427 : vector<1x16xf32> to vector<16xf32>
        %swap3A_429 = vector.shape_cast %add3A_422 : vector<16xf32> to vector<1x16xf32>
        tpu.vector_store %arg12[%swap3A_425, %swap3A_426], %swap3A_429 {strides = array<i32>} : memref<200x64xf32, #tpu.memory_space<vmem>>, vector<1x16xf32>,
      }
      %scan3A_93 = arith.constant 50 : i32
      %mul3A_94 = arith.constant 200 : i32
      %mul3A_95 = arith.muli %add3A_75, %mul3A_94 : i32
      %add3A_96 = arith.addi %mul3A_2, %mul3A_95 : i32
      %multiple_of3A_97 = tpu.assume_multiple %add3A_96, 8 : i32
      %dma_start3A_98 = arith.constant 0 : i32
      %dma_start3A_99 = tpu.memref_slice %arg5[%multiple_of3A_97, %dma_start3A_98] : memref<819200x64xf32, #tpu.memory_space<hbm>> -> memref<200x64xf32, #tpu.memory_space<hbm>>
      %dma_start3A_100 = arith.constant 0 : i32
      %dma_start3A_101 = tpu.memref_slice %arg5[%multiple_of3A_97, %dma_start3A_100] : memref<819200x64xf32, #tpu.memory_space<hbm>> -> memref<200x64xf32, #tpu.memory_space<hbm>>
      tpu.enqueue_dma source(%arg12 : memref<200x64xf32, #tpu.memory_space<vmem>>) target(%dma_start3A_101 : memref<200x64xf32, #tpu.memory_space<hbm>>) target_semaphore(%arg18 : memref<!tpu.dma_semaphore, #tpu.memory_space<semaphore_mem>>)
      %lt3A_102 = arith.constant 126 : i32
      %lt3A_103 = arith.cmpi slt, %add3A_75, %lt3A_102 : i32
      %convert_element_type3A_104 = arith.extui %lt3A_103 : i1 to i32
      %cond3A_105 = arith.constant 0 : i32
      %cond3A_106 = arith.cmpi ne, %convert_element_type3A_104, %cond3A_105 : i32
      scf.if %cond3A_106 {
        %add3A_107 = arith.constant 2 : i32
        %add3A_108 = arith.addi %add3A_75, %add3A_107 : i32
        %mul3A_109 = arith.constant 200 : i32
        %mul3A_110 = arith.muli %add3A_108, %mul3A_109 : i32
        %add3A_111 = arith.addi %mul3A_2, %mul3A_110 : i32
        %dma_wait3A_112 = tpu.memref_slice %arg2[%add3A_111] : memref<819200xi32, #tpu.memory_space<hbm>> -> memref<200xi32, #tpu.memory_space<hbm>>
        %dma_wait3A_113 = tpu.memref_slice %arg2[%add3A_111] : memref<819200xi32, #tpu.memory_space<hbm>> -> memref<200xi32, #tpu.memory_space<hbm>>
        tpu.wait_dma2 semaphore(%arg16 : memref<!tpu.dma_semaphore, #tpu.memory_space<semaphore_mem>>) src(%dma_wait3A_113 : memref<200xi32, #tpu.memory_space<hbm>>) dst(%arg8 : memref<200xi32, #tpu.memory_space<vmem>>)
        %add3A_114 = arith.constant 2 : i32
        %add3A_115 = arith.addi %add3A_75, %add3A_114 : i32
        %dma_start3A_116 = arith.constant 0 : i32
        %dma_start3A_117 = arith.constant 0 : i32
        %dma_start3A_118 = tpu.memref_slice %arg3[%dma_start3A_116, %dma_start3A_117] : memref<1000000x128xf32, #tpu.memory_space<hbm>> -> memref<1000000x128xf32, #tpu.memory_space<hbm>>
        tpu.enqueue_indirect_dma source(%dma_start3A_118 : memref<1000000x128xf32, #tpu.memory_space<hbm>>) target(%arg10 : memref<200x128xf32, #tpu.memory_space<vmem>>) offsets(%arg8 : memref<200xi32, #tpu.memory_space<vmem>>) semaphore(%arg14 : memref<!tpu.dma_semaphore, #tpu.memory_space<semaphore_mem>>)
      } else {
      }
    }
    %scan3A_26 = arith.constant 64 : i32
    %add3A_27 = arith.constant 25200 : i32
    %add3A_28 = arith.addi %mul3A_2, %add3A_27 : i32
    %multiple_of3A = tpu.assume_multiple %add3A_28, 8 : i32
    %dma_wait3A_29 = arith.constant 0 : i32
    %dma_wait3A_30 = tpu.memref_slice %arg5[%multiple_of3A, %dma_wait3A_29] : memref<819200x64xf32, #tpu.memory_space<hbm>> -> memref<200x64xf32, #tpu.memory_space<hbm>>
    %dma_wait3A_31 = arith.constant 0 : i32
    %dma_wait3A_32 = tpu.memref_slice %arg5[%multiple_of3A, %dma_wait3A_31] : memref<819200x64xf32, #tpu.memory_space<hbm>> -> memref<200x64xf32, #tpu.memory_space<hbm>>
    tpu.wait_dma2 semaphore(%arg17 : memref<!tpu.dma_semaphore, #tpu.memory_space<semaphore_mem>>) src(%arg11 : memref<200x64xf32, #tpu.memory_space<vmem>>) dst(%dma_wait3A_32 : memref<200x64xf32, #tpu.memory_space<hbm>>)
    %add3A_33 = arith.constant 25400 : i32
    %add3A_34 = arith.addi %mul3A_2, %add3A_33 : i32
    %multiple_of3A_35 = tpu.assume_multiple %add3A_34, 8 : i32
    %dma_wait3A_36 = arith.constant 0 : i32
    %dma_wait3A_37 = tpu.memref_slice %arg5[%multiple_of3A_35, %dma_wait3A_36] : memref<819200x64xf32, #tpu.memory_space<hbm>> -> memref<200x64xf32, #tpu.memory_space<hbm>>
    %dma_wait3A_38 = arith.constant 0 : i32
    %dma_wait3A_39 = tpu.memref_slice %arg5[%multiple_of3A_35, %dma_wait3A_38] : memref<819200x64xf32, #tpu.memory_space<hbm>> -> memref<200x64xf32, #tpu.memory_space<hbm>>
    tpu.wait_dma2 semaphore(%arg18 : memref<!tpu.dma_semaphore, #tpu.memory_space<semaphore_mem>>) src(%arg12 : memref<200x64xf32, #tpu.memory_space<vmem>>) dst(%dma_wait3A_39 : memref<200x64xf32, #tpu.memory_space<hbm>>)
    return
  }
}

</mosaic_0001>

<sc_bundles>
// kernel: _emb.3.cloned.1.call-start
scs
__scs_entry_jumppad:
0x0: {  	(pc) =	sbr.rel $0x88, $3  }
0x1: {  	(tag) =	ssettag $0x0;
	lr =	simm.s32 $0x1  }
0x2: {  	[smem:$0x3F9E] =	sst lr;
	_ =	strace $0xD0000000  }
0x3: {  	_ = 	snop  }
0x4: {  	_ = 	snop  }
0x5: {  	_ = 	snop  }
0x6: {  	_ = 	snop  }
0x7: {  	_ = 	snop  }
__scs_overlays_trampoline_lowered:
0x8: {  	[smem:$0x3FAD] =	sst s0  }
0x9: {  	[smem:$0x3FAE] =	sst s1  }
0xa: {  	[smem:$0x3FAF] =	sst s2  }
0xb: {  	[smem:$0x3FB0] =	sst s3  }
0xc: {  	[smem:$0x3FB1] =	sst s4  }
0xd: {  	[smem:$0x3FB2] =	sst s5  }
0xe: {  	[smem:$0x3FB3] =	sst s6  }
0xf: {  	[smem:$0x3FB4] =	sst s7  }
0x10: {  	[smem:$0x3FB5] =	sst s8  }
0x11: {  	[smem:$0x3FB6] =	sst s9;
	s0 =	simm.s32 @!p0 $0x0  }
0x12: {  	s1 =	sld [smem:$0x3F9C];
	s0 =	simm.s32 @p0 $0x1  }
0x13: {  	[smem:$0x3FB7] =	sst s0;
	s0 =	simm.s32 @!p1 $0x0  }
0x14: {  	s2 =	sld [smem:$0x3F9B];
	s0 =	simm.s32 @p1 $0x1  }
0x15: {  	[smem:$0x3FB8] =	sst s0;
	s0 =	simm.s32 @!p2 $0x0  }
0x16: {  	s3 =	sld [smem:$0x3FDB];
	s0 =	simm.s32 @p2 $0x1  }
0x17: {  	s4 =	simm.s32 $0x1BF5;
	[smem:$0x3FBA] =	sst s0  }
0x18: {  	s0 =	sld [smem:$0x3F9D];
	_ =	swait.ge [sflag:s4], $0x0  }
0x19: {  	s7 =	sld [smem:$0x3F9E]  }
0x1a: {  	s8 =	sadd.s32 $0xFFFFE003, lr  }
0x1b: {  	s9 =	sadd.s32 $0xFFFFFEF7, lr;
	s5 =	simm.s32 $0xFFFFFFFF;
	p2 =	slt.u32 s8, $0xFFFFF086  }
0x1c: {  	p1 =	slt.u32 s9, $0xF7A;
	s5 =	simm.s32 @!p2 $0x0  }
0x1d: {  	s5 =	simm.s32 @p1 $0x1;
	p0 =	seq.s32 s7, s2  }
0x1e: {  	s7 =	smul.u32 @!p0 $0xF7A, s2;
	p2 =	seq.s32 @!p0 s5, $0x0  }
0x1f: {  	s9 =	smul.u32 $0xF7A, s1;
	s8 =	simm.s32 @!p0 $0x1BF5;
	p2 =	por !p2, p0  }
0x20: {  	[sflag:s8] =	ssyncset.s32 @!p0 $0xFFFFF086;
	s6 =	sadd.s32 @!p0 s3, s7;
	s7 =	simm.s32 @!p0 $0x108  }
0x21: {  	s3 =	sadd.s32 s3, s9;
	s6 =	sadd.s32 @!p0 $0x88, s6;
	s7 =	simm.s32 @p2 $0x1082  }
0x22: {  	[simem:s7], [sflag:s8] =	dma.local @!p0 [hbm:s6], $0xF7A  }
0x23: {  	s9 =	sor.u32 $0xD0000000, s2;
	s6 =	simm.s32 $0x108;
	_ =	swait.ge @!p0 [sflag:s8], $0x0  }
0x24: {  	s3 =	sadd.s32 $0x88, s3;
	s6 =	simm.s32 @!p1 $0x1082;
	[sflag:s4] =	ssyncset.s32 $0xFFFFF086  }
0x25: {  	[simem:s6], [sflag:s4] =	dma.local [hbm:s3], $0xF7A  }
0x26: {  	[smem:$0x3F9E] =	sst s1;
	(tag) =	ssettag s2;
	_ =	strace s9  }
0x27: {  	s1 =	sld [smem:$0x3FAE]  }
0x28: {  	s2 =	sld [smem:$0x3FAF]  }
0x29: {  	s4 =	sld [smem:$0x3FB1]  }
0x2a: {  	p0 =	seq.s32 s5, $0x0;
	s5 =	sld [smem:$0x3FB2]  }
0x2b: {  	s6 =	sld [smem:$0x3FB3]  }
0x2c: {  	s7 =	sld [smem:$0x3FB4]  }
0x2d: {  	s3 =	simm.s32 $0x108;
	s8 =	sld [smem:$0x3FB5]  }
0x2e: {  	s3 =	simm.s32 @!p0 $0x1082;
	s9 =	sld [smem:$0x3FB6]  }
0x2f: {  	lr =	sadd.s32 s0, s3;
	s0 =	sld [smem:$0x3FAD]  }
0x30: {  	s3 =	sld [smem:$0x3FB0]  }
0x31: {  	[smem:$0x3FB9] =	sst s10  }
0x32: {  	s10 =	sld [smem:$0x3FB7];
	_ =	sdelay $0x3  }
0x33: {  	p0 =	seq.s32 s10, $0x1;
	s10 =	sld [smem:$0x3FB9];
	_ =	sdelay $0x3  }
0x34: {  	[smem:$0x3FB9] =	sst s10  }
0x35: {  	s10 =	sld [smem:$0x3FB8];
	_ =	sdelay $0x3  }
0x36: {  	p1 =	seq.s32 s10, $0x1;
	s10 =	sld [smem:$0x3FB9];
	_ =	sdelay $0x3  }
0x37: {  	[smem:$0x3FB9] =	sst s10  }
0x38: {  	s10 =	sld [smem:$0x3FBA]  }
0x39: {  	_ = 	snop;
	(pc) =	sbr.ind lr, $3  }
0x3a: {  	_ = 	snop  }
0x3b: {  	_ = 	snop  }
0x3c: {  	p2 =	seq.s32 s10, $0x1;
	s10 =	sld [smem:$0x3FB9]  }
0x3d: {  	_ =	shalt  }
0x3e: {  	_ =	shalt  }
0x3f: {  	_ =	shalt  }
0x40: {  	_ =	shalt  }
0x41: {  	_ =	shalt  }
0x42: {  	_ =	shalt  }
0x43: {  	_ =	shalt  }
0x44: {  	_ =	shalt  }
0x45: {  	_ =	shalt  }
0x46: {  	_ =	shalt  }
0x47: {  	_ =	shalt  }
0x48: {  	_ =	shalt  }
0x49: {  	_ =	shalt  }
0x4a: {  	_ =	shalt  }
0x4b: {  	_ =	shalt  }
0x4c: {  	_ =	shalt  }
0x4d: {  	_ =	shalt  }
0x4e: {  	_ =	shalt  }
0x4f: {  	_ =	shalt  }
0x50: {  	_ =	shalt  }
0x51: {  	_ =	shalt  }
0x52: {  	_ =	shalt  }
0x53: {  	_ =	shalt  }
0x54: {  	_ =	shalt  }
0x55: {  	_ =	shalt  }
0x56: {  	_ =	shalt  }
0x57: {  	_ =	shalt  }
0x58: {  	_ =	shalt  }
0x59: {  	_ =	shalt  }
0x5a: {  	_ =	shalt  }
0x5b: {  	_ =	shalt  }
0x5c: {  	_ =	shalt  }
0x5d: {  	_ =	shalt  }
0x5e: {  	_ =	shalt  }
0x5f: {  	_ =	shalt  }
0x60: {  	_ =	shalt  }
0x61: {  	_ =	shalt  }
0x62: {  	_ =	shalt  }
0x63: {  	_ =	shalt  }
0x64: {  	_ =	shalt  }
0x65: {  	_ =	shalt  }
0x66: {  	_ =	shalt  }
0x67: {  	_ =	shalt  }
0x68: {  	_ =	shalt  }
0x69: {  	_ =	shalt  }
0x6a: {  	_ =	shalt  }
0x6b: {  	_ =	shalt  }
0x6c: {  	_ =	shalt  }
0x6d: {  	_ =	shalt  }
0x6e: {  	_ =	shalt  }
0x6f: {  	_ =	shalt  }
0x70: {  	_ =	shalt  }
0x71: {  	_ =	shalt  }
0x72: {  	_ =	shalt  }
0x73: {  	_ =	shalt  }
0x74: {  	_ =	shalt  }
0x75: {  	_ =	shalt  }
0x76: {  	_ =	shalt  }
0x77: {  	_ =	shalt  }
0x78: {  	_ =	shalt  }
0x79: {  	_ =	shalt  }
0x7a: {  	_ =	shalt  }
0x7b: {  	_ =	shalt  }
0x7c: {  	_ =	shalt  }
0x7d: {  	_ =	shalt  }
0x7e: {  	_ =	shalt  }
0x7f: {  	_ =	shalt  }
0x80: {  	_ =	shalt  }
0x81: {  	_ =	shalt  }
0x82: {  	_ =	shalt  }
0x83: {  	_ =	shalt  }
0x84: {  	_ =	shalt  }
0x85: {  	_ =	shalt  }
0x86: {  	_ =	shalt  }
0x87: {  	_ =	shalt  }
.Lfunc_end0:
.L_simem_size_0:
called_computation_lowered:
.L_overlay_start_0:
0x88: {  	s2 =	sld [smem:$0x3FD9]  }
0x89: {  	s3 =	sld [smem:$0x3FFE];
	_ =	sdelay $0x1  }
0x8a: {  	s1 =	srdreg.scid  }
0x8b: {  	s0 =	sand.u32 $0x1, s1  }
0x8c: {  	s17 =	sshll.u32 s0, $0xA;
	s2 =	sadd.s32 s3, s2  }
0x8d: {  	s2 =	sadd.s32 s2, s17  }
0x8e: {  	[smem:$0x3FC5] =	sst s2  }
0x8f: {  	_ = 	snop  }
0x90: {  	s2 =	sld [smem:$0x3FC9]  }
0x91: {  	s18 =	sld [smem:$0x3FC8]  }
0x92: {  	s4 =	sld [smem:$0x3FD0];
	(tm) =	ssettm $0x1  }
0x93: {  	s5 =	sld [smem:$0x3FFB];
	_ =	sdelay $0x3  }
0x94: {  	_ =	strace s5  }
0x95: {  	s5 =	sld [smem:$0x3FFC];
	_ =	sdelay $0x3  }
0x96: {  	_ =	strace s5  }
0x97: {  	s5 =	sld [smem:$0x3FFD];
	_ =	sdelay $0x3  }
0x98: {  	_ =	strace s5  }
0x99: {  	_ =	strace $0x8FFFFFFF  }
0x9a: {  	s19 =	sld [smem:$0x3FDB];
	_ =	sdelay $0x1  }
0x9b: {  	s6 =	simm.s32 $_scs_section_size  }
0x9c: {  	s7 =	simm.s32 $_size__tile_overlayer_lowered;
	s8 =	simm.s32 $_tile_overlayer_lowered  }
0x9d: {  	s22 =	simm.s32 $0x1BFF;
	s21 =	sshll.u32 s8, $0x1;
	s5 =	sadd.s32 s6, s19  }
0x9e: {  	s9 =	simm.s32 $0x0;
	s20 =	sshll.u32 s7, $0x1;
	s7 =	sadd.s32 s21, s5  }
0x9f: {  	[timem:s9], [sflag:s22] =	dma.local [hbm:s7], s20  }
0xa0: {  	_ =	swait.ge [sflag:s22], s20  }
0xa1: {  	s6 =	ssub.s32 $0x0, s20;
	[sflag:s22] =	ssyncset.done $0x0  }
0xa2: {  	[sflag:s22] =	ssyncadd.s32 s6;
	_ =	sdelay $0x1  }
0xa3: {  	s23 =	simm.s32 $0x1B8B  }
0xa4: {  	_ =	swait.ge [sflag:s23], $0x1  }
0xa5: {  	[sflag:s23] =	ssyncset.done $0x0  }
0xa6: {  	s25 =	simm.s32 $0x1B8E;
	s24 =	sld [smem:$0x3FFE];
	[sflag:s23] =	ssyncadd.s32 $0xFFFFFFFF  }
0xa7: {  	s26 =	simm.s32 $execute0_lowered;
	[smem:$0x3FD2] =	sst s25  }
0xa8: {  	s7 =	sshll.u32 s26, $0x1;
	_ =	strace $0x80000046;
	[dreg:$0x1] =	wrdreg $0xFFFFFFFF  }
0xa9: {  	s28 =	simm.s32 $_size_execute0_lowered;
	s5 =	sadd.s32 s5, s7;
	[dreg:$0x0] =	wrdreg $0x0  }
0xaa: {  	s7 =	sshll.u32 s28, $0x1;
	[dreg:$0x2] =	wrdreg s5  }
0xab: {  	[dreg:$0x3] =	wrdreg s7  }
0xac: {  	[dreg:$0x4] =	wrdreg $0xC0  }
0xad: {  	_ =	task [dreg:s9], $0x5FFFF  }
0xae: {  	[dreg:$0x1] =	wrdreg $0xFFFFFFFF  }
0xaf: {  	[dreg:$0x0] =	wrdreg $0x60  }
0xb0: {  	[dreg:$0x2] =	wrdreg s2  }
0xb1: {  	[dreg:$0x3] =	wrdreg s18  }
0xb2: {  	[dreg:$0x4] =	wrdreg s4  }
0xb3: {  	[dreg:$0x5] =	wrdreg s24  }
0xb4: {  	[dreg:$0x6] =	wrdreg $0x9  }
0xb5: {  	_ =	task.clear_ibuf [dreg:s9], $0x7FFFF;
	_ =	strace $0x90000046  }
0xb6: {  	s29 =	simm.s32 $0x9;
	_ =	strace $0x80000048  }
0xb7: {  	_ =	swait.ge [sflag:s29], $0x1  }
0xb8: {  	[sflag:s29] =	ssyncadd.s32 $0xFFFFFFFF  }
0xb9: {  	_ =	strace $0x90000048  }
0xba: {  	_ =	sfence  }
0xbb: {  	s30 =	sld [smem:$0x0];
	_ =	sdelay $0x2  }
0xbc: {  	s31 =	sshll.u32 s1, $0xD;
	s1 =	sshrl.u32 s1, $0x2  }
0xbd: {  	s3 =	sand.u32 $0x4000, s31;
	s1 =	sadd.s32 s1, s30  }
0xbe: {  	s0 =	sor.u32 s3, s0;
	s1 =	sshll.u32 s1, $0x11  }
0xbf: {  	s0 =	sor.u32 s1, s0  }
0xc0: {  	s0 =	sadd.s32 $0x8F2B, s0  }
0xc1: {  	[sflag:s0] =	ssyncadd.remote.s32 $0x1  }
0xc2: {  	_ =	sfence.sel $0xFFFF  }
0xc3: {  	[dreg:$0x0] =	wrdreg $0xFFFFFFFF;
	(pc) =	sbr.abs _section_cstart, $3  }
0xc4: {  	[dreg:$0x1] =	wrdreg $0xFFFFFFFF  }
0xc5: {  	_ =	task.clear_ibuf [dreg:s9], $0x2FFFF;
	_ =	strace $0x9FFFFFFF  }
0xc6: {  	(tm) =	ssettm $0x7FFFFFFF  }
0xc7: {  	_ =	shalt  }
tec
execute0_lowered:
.L_overlay_start_1:
0x0: {  	(tag) =	ssettag $0x1  }
0x1: {  	s1 =	rddreg [dreg:$0x0]  }
0x2: {  	s2 =	rddreg [dreg:$0x1];
	s0 =	srdreg.scid  }
0x3: {  	s3 =	stileid.u32;
	s4 =	rddreg [dreg:$0x3]  }
0x4: {  	s5 =	simm.s32 $0x0;
	s14 =	simm.s32 $0x7;
	s15 =	simm.s32 $0x6400  }
0x5: {  	s16 =	simm.s32 $0x6500;
	s17 =	simm.s32 $0x3;
	s18 =	simm.s32 $0xC8  }
0x6: {  	s19 =	simm.s32 $0x6600;
	s20 =	simm.s32 $0x4;
	s21 =	simm.s32 $0xCA00  }
0x7: {  	s22 =	simm.s32 $0x1;
	s23 =	simm.s32 $0x12E00;
	s24 =	simm.s32 $0x2  }
0x8: {  	s25 =	simm.s32 $0x19200;
	s0 =	sand.u32 $0x1, s0;
	s3 =	sshll.u32 s3, $0x1  }
0x9: {  	s26 =	simm.s32 $0x5;
	s28 =	simm.s32 $0x6;
	s3 =	sor.u32 s0, s3  }
0xa: {  	s29 =	simm.s32 $0x0;
	s0 =	ssub.s32 $0x2, s0;
	s6 =	smul.u32 $0x6400, s3  }
0xb: {  	[smem:$0x7FF] =	sst s5;
	s7 =	sadd.s32 $0x400, s4;
	s31 =	sshrl.u32 s0, $0x1  }
0xc: {  	_ =	strace $0x80000047;
	s0 =	ssub.s32 s0, s31;
	s3 =	sshrl.u32 s6, $0x3  }
0xd: {  	s10 =	sor.u32 $0x190, s6;
	s11 =	sor.u32 $0x258, s6;
	s8 =	sadd.s32 s1, s3  }
0xe: {  	s12 =	sor.u32 $0xC8, s6;
	s13 =	smax.u32 s0, $0x1;
	s9 =	sadd.s32 $0x19, s8  }
.LBB2_1:
0xf: {  	s0 =	rddreg [dreg:$0x2]  }
0x10: {  	[tilespmem:s5], [sflag:$0x7] =	stream.linear.gather [hbm4b:s0+s5], $0x6400, $0x38;
	[tilespmem:$0x1F600] =	vst v63  }
0x11: {  	_ =	swait.ge [sflag:s14], $0x6400  }
0x12: {  	[sflag:s14] =	ssyncset.done $0x0  }
0x13: {  	[sflag:s14] =	ssyncadd.s32 $0xFFFF9C00  }
0x14: {  	[tilespmem:s15], [sflag:$0x3] =	stream.linear.gather [hbm4b:s8+s5], $0xC8, $0x38;
	[tilespmem:$0x1F600] =	vst v63  }
0x15: {  	_ = 	snop  }
0x16: {  	[tilespmem:s16], [sflag:$0x4] =	stream.linear.gather [hbm4b:s9+s5], $0xC8, $0x38;
	[tilespmem:$0x1F600] =	vst v63  }
0x17: {  	_ =	swait.ge [sflag:s17], $0xC8  }
0x18: {  	[sflag:s17] =	ssyncset.done $0x0  }
0x19: {  	[sflag:s17] =	ssyncadd.s32 $0xFFFFFF38  }
0x1a: {  	[tilespmem:s19], [sflag:$0x1] =	stream.indirect.gather [hbm4b:s2+s18], $0x80, s15, s18, $0xb8;
	[tilespmem:$0x1F600] =	vst v63  }
0x1b: {  	_ =	swait.ge [sflag:s20], $0xC8  }
0x1c: {  	[sflag:s20] =	ssyncset.done $0x0  }
0x1d: {  	s30 =	simm.s32 $0x0;
	[sflag:s20] =	ssyncadd.s32 $0xFFFFFF38  }
0x1e: {  	[tilespmem:s21], [sflag:$0x2] =	stream.indirect.gather [hbm4b:s2+s18], $0x80, s16, s18, $0xb8;
	[tilespmem:$0x1F600] =	vst v63  }
.LBB2_2:
0x1f: {  	_ =	swait.ge [sflag:s22], $0x6400  }
0x20: {  	p1 =	seq.s32 s30, $0x0;
	[sflag:s22] =	ssyncset.done $0x0  }
0x21: {  	s0 =	simm.s32 @!p1 $0x5;
	[sflag:s22] =	ssyncadd.s32 $0xFFFF9C00  }
0x22: {  	p0 =	seq.s32 @!p1 s30, $0x3F;
	_ =	swait.ge @!p1 [sflag:s0], $0x6400  }
0x23: {  	p2 =	por p1, !p0;
	[sflag:s0] =	ssyncset.done @!p1 $0x0  }
0x24: {  	[sflag:s0] =	ssyncadd.s32 @!p1 $0xFFFF9C00;
	s0 =	smul.u32 @p2 $0x190, s30;
	_ =	sdelay $0x1  }
0x25: {  	s0 =	sadd.s32 @p2 s0, s10  }
0x26: {  	s0 =	sshrl.u32 @p2 s0, $0x3  }
0x27: {  	s31 =	simm.s32 $0x0;
	s0 =	sadd.s32 @p2 s1, s0  }
0x28: {  	[tilespmem:s15], [sflag:$0x3] =	stream.linear.gather @p2 [hbm4b:s0+s5], $0xC8, $0x38;
	[tilespmem:$0x1F600] =	vst v63  }
0x29: {  	v0 =	vld [tilespmem:s31+$0x67B0]  }
0x2a: {  	v1 =	vld [tilespmem:s31+$0x1B0]  }
0x2b: {  	v2 =	vld [tilespmem:s31+$0x6600]  }
0x2c: {  	v3 =	vld [tilespmem:s31+$0x0]  }
0x2d: {  	v4 =	vld [tilespmem:s31+$0x6610]  }
0x2e: {  	v5 =	vld [tilespmem:s31+$0x10]  }
0x2f: {  	v6 =	vld [tilespmem:s31+$0x6620]  }
0x30: {  	v7 =	vld [tilespmem:s31+$0x6630]  }
0x31: {  	v0 =	vadd.f32 v1, v0;
	v1 =	vld [tilespmem:s31+$0x20]  }
0x32: {  	v2 =	vadd.f32 v3, v2;
	v3 =	vld [tilespmem:s31+$0x6680]  }
0x33: {  	[tilespmem:s31+$0x12FB0] =	vst v0;
	v0 =	vld [tilespmem:s31+$0x30]  }
0x34: {  	[tilespmem:s31+$0x12E00] =	vst v2;
	v2 =	vadd.f32 v5, v4;
	v4 =	vld [tilespmem:s31+$0x80]  }
0x35: {  	v5 =	vld [tilespmem:s31+$0x90]  }
0x36: {  	[tilespmem:s31+$0x12E10] =	vst v2;
	v2 =	vld [tilespmem:s31+$0x6690];
	v1 =	vadd.f32 v1, v6  }
0x37: {  	v6 =	vld [tilespmem:s31+$0xA0]  }
0x38: {  	[tilespmem:s31+$0x12E20] =	vst v1;
	v0 =	vadd.f32 v0, v7;
	v1 =	vld [tilespmem:s31+$0x66A0]  }
0x39: {  	v7 =	vld [tilespmem:s31+$0x130]  }
0x3a: {  	[tilespmem:s31+$0x12E30] =	vst v0;
	v0 =	vadd.f32 v4, v3;
	v3 =	vld [tilespmem:s31+$0x66B0]  }
0x3b: {  	v4 =	vld [tilespmem:s31+$0xB0]  }
0x3c: {  	[tilespmem:s31+$0x12E80] =	vst v0;
	v0 =	vadd.f32 v5, v2;
	v2 =	vld [tilespmem:s31+$0x6700]  }
0x3d: {  	v5 =	vld [tilespmem:s31+$0x100]  }
0x3e: {  	[tilespmem:s31+$0x12E90] =	vst v0;
	v0 =	vadd.f32 v6, v1;
	v1 =	vld [tilespmem:s31+$0x6710]  }
0x3f: {  	v6 =	vld [tilespmem:s31+$0x110]  }
0x40: {  	[tilespmem:s31+$0x12EA0] =	vst v0;
	v0 =	vadd.f32 v4, v3;
	v3 =	vld [tilespmem:s31+$0x6720]  }
0x41: {  	v4 =	vld [tilespmem:s31+$0x120]  }
0x42: {  	[tilespmem:s31+$0x12EB0] =	vst v0;
	v0 =	vadd.f32 v5, v2;
	v5 =	vld [tilespmem:s31+$0x6730]  }
0x43: {  	v8 =	vld [tilespmem:s31+$0x180]  }
0x44: {  	[tilespmem:s31+$0x12F00] =	vst v0;
	v0 =	vadd.f32 v6, v1;
	v6 =	vld [tilespmem:s31+$0x6780]  }
0x45: {  	v2 =	vld [tilespmem:s31+$0x6790]  }
0x46: {  	[tilespmem:s31+$0x12F10] =	vst v0;
	v0 =	vadd.f32 v4, v3;
	v3 =	vld [tilespmem:s31+$0x190]  }
0x47: {  	v4 =	vld [tilespmem:s31+$0x1A0];
	v5 =	vadd.f32 v7, v5  }
0x48: {  	s3 =	simm.s32 $0x200;
	p0 =	por @!p1 $0x1, $0x1;
	[tilespmem:s31+$0x12F20] =	vst v0;
	v0 =	vld [tilespmem:s31+$0x67A0]  }
0x49: {  	p0 =	por @p2 $0x0, $0x0;
	s0 =	simm.s32 $0x1000;
	v1 =	vld [tilespmem:s3+$0x67B0];
	[tilespmem:s31+$0x12F30] =	vst v5;
	v5 =	vadd.f32 v8, v6  }
.LBB2_3:
0x4a: {  	p2 =	sne.s32 s0, $0x18800;
	v6 =	vld [tilespmem:s3+$0x1B0]  }
0x4b: {  	v7 =	vld [tilespmem:s3+$0x6600];
	[tilespmem:s31+$0x12F80] =	vst v5;
	v2 =	vadd.f32 v3, v2  }
0x4c: {  	v3 =	vld [tilespmem:s3+$0x0]  }
0x4d: {  	v5 =	vld [tilespmem:s3+$0x6610];
	[tilespmem:s31+$0x12F90] =	vst v2;
	v0 =	vadd.f32 v4, v0  }
0x4e: {  	v2 =	vld [tilespmem:s3+$0x10]  }
0x4f: {  	v4 =	vld [tilespmem:s3+$0x6620];
	v1 =	vadd.f32 v6, v1;
	[tilespmem:s31+$0x12FA0] =	vst v0;
	s31 =	smov.u32 s3  }
0x50: {  	v0 =	vld [tilespmem:s31+$0x20]  }
0x51: {  	v3 =	vadd.f32 v3, v7;
	v6 =	vld [tilespmem:s31+$0x6630];
	[tilespmem:s31+$0x12FB0] =	vst v1  }
0x52: {  	v1 =	vld [tilespmem:s31+$0x30]  }
0x53: {  	[tilespmem:s31+$0x12E00] =	vst v3;
	v2 =	vadd.f32 v2, v5;
	v3 =	vld [tilespmem:s31+$0x6680]  }
0x54: {  	v5 =	vld [tilespmem:s31+$0x80]  }
0x55: {  	[tilespmem:s31+$0x12E10] =	vst v2;
	v0 =	vadd.f32 v0, v4;
	v2 =	vld [tilespmem:s31+$0x6690]  }
0x56: {  	v4 =	vld [tilespmem:s31+$0x90]  }
0x57: {  	[tilespmem:s31+$0x12E20] =	vst v0;
	v0 =	vadd.f32 v1, v6;
	v1 =	vld [tilespmem:s31+$0x66A0]  }
0x58: {  	v6 =	vld [tilespmem:s31+$0xA0]  }
0x59: {  	[tilespmem:s31+$0x12E30] =	vst v0;
	v0 =	vadd.f32 v5, v3;
	v3 =	vld [tilespmem:s31+$0x66B0]  }
0x5a: {  	v5 =	vld [tilespmem:s31+$0xB0]  }
0x5b: {  	[tilespmem:s31+$0x12E80] =	vst v0;
	v0 =	vadd.f32 v4, v2;
	v2 =	vld [tilespmem:s31+$0x6700]  }
0x5c: {  	v4 =	vld [tilespmem:s31+$0x100]  }
0x5d: {  	[tilespmem:s31+$0x12E90] =	vst v0;
	v0 =	vadd.f32 v6, v1;
	v1 =	vld [tilespmem:s31+$0x6710]  }
0x5e: {  	v6 =	vld [tilespmem:s31+$0x110]  }
0x5f: {  	[tilespmem:s31+$0x12EA0] =	vst v0;
	v0 =	vadd.f32 v5, v3;
	v3 =	vld [tilespmem:s31+$0x6720]  }
0x60: {  	v5 =	vld [tilespmem:s31+$0x120]  }
0x61: {  	[tilespmem:s31+$0x12EB0] =	vst v0;
	v0 =	vadd.f32 v4, v2;
	v4 =	vld [tilespmem:s31+$0x6730]  }
0x62: {  	v7 =	vld [tilespmem:s31+$0x130]  }
0x63: {  	[tilespmem:s31+$0x12F00] =	vst v0;
	v0 =	vadd.f32 v6, v1;
	v6 =	vld [tilespmem:s31+$0x6780]  }
0x64: {  	v8 =	vld [tilespmem:s31+$0x180]  }
.Ltmp0:
0x65: {  	[tilespmem:s31+$0x12F10] =	vst v0;
	v0 =	vadd.f32 v5, v3;
	v2 =	vld [tilespmem:s31+$0x6790];
	(pc) =	sbr.rel @p2 .LBB2_3-.Ltmp0, $4  }
0x66: {  	v3 =	vld [tilespmem:s31+$0x190]  }
0x67: {  	[tilespmem:s31+$0x12F20] =	vst v0;
	v5 =	vadd.f32 v7, v4;
	v0 =	vld [tilespmem:s31+$0x67A0]  }
0x68: {  	s3 =	sshra.s32 s0, $0x2;
	v4 =	vld [tilespmem:s31+$0x1A0]  }
0x69: {  	s0 =	sadd.s32 $0x800, s0;
	v1 =	vld [tilespmem:s3+$0x67B0];
	[tilespmem:s31+$0x12F30] =	vst v5;
	v5 =	vadd.f32 v8, v6  }
0x6a: {  	v6 =	vld [tilespmem:s3+$0x1B0]  }
0x6b: {  	v7 =	vld [tilespmem:s3+$0x6600];
	[tilespmem:s31+$0x12F80] =	vst v5;
	v2 =	vadd.f32 v3, v2  }
0x6c: {  	v3 =	vld [tilespmem:s3+$0x0]  }
0x6d: {  	v5 =	vld [tilespmem:s3+$0x6610];
	[tilespmem:s31+$0x12F90] =	vst v2;
	v0 =	vadd.f32 v4, v0  }
0x6e: {  	v2 =	vld [tilespmem:s3+$0x10]  }
0x6f: {  	v4 =	vld [tilespmem:s3+$0x6620];
	[tilespmem:s31+$0x12FA0] =	vst v0  }
0x70: {  	v0 =	vadd.f32 v6, v1;
	v1 =	vld [tilespmem:s3+$0x20]  }
0x71: {  	v6 =	vld [tilespmem:s3+$0x6630]  }
0x72: {  	v3 =	vadd.f32 v3, v7;
	[tilespmem:s3+$0x12FB0] =	vst v0;
	v0 =	vld [tilespmem:s3+$0x30]  }
0x73: {  	v7 =	vld [tilespmem:s3+$0x1A0]  }
0x74: {  	[tilespmem:s3+$0x12E00] =	vst v3;
	v2 =	vadd.f32 v2, v5;
	v3 =	vld [tilespmem:s3+$0x6680]  }
0x75: {  	v5 =	vld [tilespmem:s3+$0x80]  }
0x76: {  	[tilespmem:s3+$0x12E10] =	vst v2;
	v2 =	vld [tilespmem:s3+$0x6690]  }
0x77: {  	v1 =	vadd.f32 v1, v4;
	v4 =	vld [tilespmem:s3+$0x90]  }
0x78: {  	v0 =	vadd.f32 v0, v6;
	v6 =	vld [tilespmem:s3+$0xA0]  }
0x79: {  	[tilespmem:s3+$0x12E20] =	vst v1;
	v1 =	vld [tilespmem:s3+$0x66A0]  }
0x7a: {  	[tilespmem:s3+$0x12E30] =	vst v0;
	v0 =	vadd.f32 v5, v3;
	v3 =	vld [tilespmem:s3+$0x66B0]  }
0x7b: {  	v5 =	vld [tilespmem:s3+$0xB0]  }
0x7c: {  	[tilespmem:s3+$0x12E80] =	vst v0;
	v0 =	vadd.f32 v4, v2;
	v2 =	vld [tilespmem:s3+$0x6700]  }
0x7d: {  	v4 =	vld [tilespmem:s3+$0x100]  }
0x7e: {  	[tilespmem:s3+$0x12E90] =	vst v0;
	v0 =	vadd.f32 v6, v1;
	v1 =	vld [tilespmem:s3+$0x6710]  }
0x7f: {  	v6 =	vld [tilespmem:s3+$0x110]  }
0x80: {  	[tilespmem:s3+$0x12EA0] =	vst v0;
	v0 =	vadd.f32 v5, v3;
	v3 =	vld [tilespmem:s3+$0x6720]  }
0x81: {  	v5 =	vld [tilespmem:s3+$0x120]  }
0x82: {  	[tilespmem:s3+$0x12EB0] =	vst v0;
	v0 =	vadd.f32 v4, v2;
	v2 =	vld [tilespmem:s3+$0x6730]  }
0x83: {  	v4 =	vld [tilespmem:s3+$0x130]  }
0x84: {  	[tilespmem:s3+$0x12F00] =	vst v0;
	v0 =	vadd.f32 v6, v1;
	v1 =	vld [tilespmem:s3+$0x6780]  }
0x85: {  	v6 =	vld [tilespmem:s3+$0x180]  }
0x86: {  	[tilespmem:s3+$0x12F10] =	vst v0;
	v0 =	vadd.f32 v5, v3;
	v3 =	vld [tilespmem:s3+$0x6790]  }
0x87: {  	v5 =	vld [tilespmem:s3+$0x190]  }
0x88: {  	[tilespmem:s3+$0x12F20] =	vst v0;
	v0 =	vld [tilespmem:s3+$0x67A0];
	_ =	sdelay $0x1  }
0x89: {  	v2 =	vadd.f32 v4, v2  }
0x8a: {  	s31 =	smul.u32 $0x190, s30;
	v1 =	vadd.f32 v6, v1  }
0x8b: {  	[tilespmem:s3+$0x12F30] =	vst v2;
	v2 =	vadd.f32 v5, v3  }
0x8c: {  	s0 =	sadd.s32 s6, s31;
	[tilespmem:s3+$0x12F80] =	vst v1;
	v0 =	vadd.f32 v7, v0  }
0x8d: {  	s0 =	sshll.u32 s0, $0x4;
	[tilespmem:s3+$0x12F90] =	vst v2  }
0x8e: {  	s0 =	sadd.s32 s7, s0;
	[tilespmem:s3+$0x12FA0] =	vst v0  }
0x8f: {  	[hbm4b:s0+s5] =	stream.linear.scatter [tilespmem:s23], [sflag:$0x5], $0x6400, $0x38;
	[tilespmem:$0x1F600] =	vst v63  }
0x90: {  	s0 =	simm.s32 @!p0 $0x3  }
0x91: {  	_ =	swait.ge @!p0 [sflag:s0], $0xC8  }
0x92: {  	s4 =	simm.s32 @!p0 $0x6600;
	[sflag:s0] =	ssyncset.done @!p0 $0x0  }
0x93: {  	s3 =	simm.s32 @!p0 $0x6400;
	[sflag:s0] =	ssyncadd.s32 @!p0 $0xFFFFFF38;
	s0 =	simm.s32 @!p0 $0xC8  }
0x94: {  	[tilespmem:s4], [sflag:$0x1] =	stream.indirect.gather @!p0 [hbm4b:s2+s0], $0x80, s3, s0, $0xb8;
	[tilespmem:$0x1F600] =	vst v63  }
0x95: {  	_ =	swait.ge [sflag:s24], $0x6400  }
0x96: {  	[sflag:s24] =	ssyncset.done $0x0  }
0x97: {  	s0 =	simm.s32 @!p1 $0x6;
	[sflag:s24] =	ssyncadd.s32 $0xFFFF9C00  }
0x98: {  	_ =	swait.ge @!p1 [sflag:s0], $0x6400  }
0x99: {  	s3 =	sadd.s32 @!p0 s31, s11;
	[sflag:s0] =	ssyncset.done @!p1 $0x0  }
0x9a: {  	[sflag:s0] =	ssyncadd.s32 @!p1 $0xFFFF9C00;
	s0 =	sshrl.u32 @!p0 s3, $0x3  }
0x9b: {  	s4 =	simm.s32 @!p0 $0x6500;
	s3 =	simm.s32 @!p0 $0x0;
	s0 =	sadd.s32 @!p0 s1, s0  }
0x9c: {  	[tilespmem:s4], [sflag:$0x4] =	stream.linear.gather @!p0 [hbm4b:s0+s3], $0xC8, $0x38;
	[tilespmem:$0x1F600] =	vst v63  }
0x9d: {  	s3 =	simm.s32 $0x0  }
0x9e: {  	v0 =	vld [tilespmem:s3+$0xCBB0]  }
0x9f: {  	v1 =	vld [tilespmem:s3+$0x1B0]  }
0xa0: {  	v2 =	vld [tilespmem:s3+$0xCA00]  }
0xa1: {  	v3 =	vld [tilespmem:s3+$0x0]  }
0xa2: {  	v4 =	vld [tilespmem:s3+$0xCA10]  }
0xa3: {  	v5 =	vld [tilespmem:s3+$0x10]  }
0xa4: {  	v6 =	vld [tilespmem:s3+$0xCA20]  }
0xa5: {  	v7 =	vld [tilespmem:s3+$0xCA30]  }
0xa6: {  	v0 =	vadd.f32 v1, v0;
	v1 =	vld [tilespmem:s3+$0x20]  }
0xa7: {  	v2 =	vadd.f32 v3, v2;
	v3 =	vld [tilespmem:s3+$0xCA80]  }
0xa8: {  	[tilespmem:s3+$0x193B0] =	vst v0;
	v0 =	vld [tilespmem:s3+$0x30]  }
0xa9: {  	[tilespmem:s3+$0x19200] =	vst v2;
	v2 =	vadd.f32 v5, v4;
	v4 =	vld [tilespmem:s3+$0x80]  }
0xaa: {  	v5 =	vld [tilespmem:s3+$0x90]  }
0xab: {  	[tilespmem:s3+$0x19210] =	vst v2;
	v2 =	vld [tilespmem:s3+$0xCA90];
	v1 =	vadd.f32 v1, v6  }
0xac: {  	v6 =	vld [tilespmem:s3+$0xA0]  }
0xad: {  	[tilespmem:s3+$0x19220] =	vst v1;
	v0 =	vadd.f32 v0, v7;
	v1 =	vld [tilespmem:s3+$0xCAA0]  }
0xae: {  	v7 =	vld [tilespmem:s3+$0x130]  }
0xaf: {  	[tilespmem:s3+$0x19230] =	vst v0;
	v0 =	vadd.f32 v4, v3;
	v3 =	vld [tilespmem:s3+$0xCAB0]  }
0xb0: {  	v4 =	vld [tilespmem:s3+$0xB0]  }
0xb1: {  	[tilespmem:s3+$0x19280] =	vst v0;
	v0 =	vadd.f32 v5, v2;
	v2 =	vld [tilespmem:s3+$0xCB00]  }
0xb2: {  	v5 =	vld [tilespmem:s3+$0x100]  }
0xb3: {  	[tilespmem:s3+$0x19290] =	vst v0;
	v0 =	vadd.f32 v6, v1;
	v1 =	vld [tilespmem:s3+$0xCB10]  }
0xb4: {  	v6 =	vld [tilespmem:s3+$0x110]  }
0xb5: {  	[tilespmem:s3+$0x192A0] =	vst v0;
	v0 =	vadd.f32 v4, v3;
	v3 =	vld [tilespmem:s3+$0xCB20]  }
0xb6: {  	v4 =	vld [tilespmem:s3+$0x120]  }
0xb7: {  	[tilespmem:s3+$0x192B0] =	vst v0;
	v0 =	vadd.f32 v5, v2;
	v5 =	vld [tilespmem:s3+$0xCB30]  }
0xb8: {  	v8 =	vld [tilespmem:s3+$0x180]  }
0xb9: {  	[tilespmem:s3+$0x19300] =	vst v0;
	v0 =	vadd.f32 v6, v1;
	v6 =	vld [tilespmem:s3+$0xCB80]  }
0xba: {  	v2 =	vld [tilespmem:s3+$0xCB90]  }
0xbb: {  	[tilespmem:s3+$0x19310] =	vst v0;
	v0 =	vadd.f32 v4, v3;
	v3 =	vld [tilespmem:s3+$0x190]  }
0xbc: {  	v4 =	vld [tilespmem:s3+$0x1A0];
	v5 =	vadd.f32 v7, v5  }
0xbd: {  	s4 =	simm.s32 $0x200;
	[tilespmem:s3+$0x19320] =	vst v0;
	v0 =	vld [tilespmem:s3+$0xCBA0]  }
0xbe: {  	s0 =	simm.s32 $0x1000;
	v1 =	vld [tilespmem:s4+$0xCBB0];
	[tilespmem:s3+$0x19330] =	vst v5;
	v5 =	vadd.f32 v8, v6  }
.LBB2_5:
0xbf: {  	p1 =	sne.s32 s0, $0x18800;
	v6 =	vld [tilespmem:s4+$0x1B0]  }
0xc0: {  	v7 =	vld [tilespmem:s4+$0xCA00];
	[tilespmem:s3+$0x19380] =	vst v5;
	v2 =	vadd.f32 v3, v2  }
0xc1: {  	v3 =	vld [tilespmem:s4+$0x0]  }
0xc2: {  	v5 =	vld [tilespmem:s4+$0xCA10];
	[tilespmem:s3+$0x19390] =	vst v2;
	v0 =	vadd.f32 v4, v0  }
0xc3: {  	v2 =	vld [tilespmem:s4+$0x10]  }
0xc4: {  	v4 =	vld [tilespmem:s4+$0xCA20];
	v1 =	vadd.f32 v6, v1;
	[tilespmem:s3+$0x193A0] =	vst v0;
	s3 =	smov.u32 s4  }
0xc5: {  	v0 =	vld [tilespmem:s3+$0x20]  }
0xc6: {  	v3 =	vadd.f32 v3, v7;
	v6 =	vld [tilespmem:s3+$0xCA30];
	[tilespmem:s3+$0x193B0] =	vst v1  }
0xc7: {  	v1 =	vld [tilespmem:s3+$0x30]  }
0xc8: {  	[tilespmem:s3+$0x19200] =	vst v3;
	v2 =	vadd.f32 v2, v5;
	v3 =	vld [tilespmem:s3+$0xCA80]  }
0xc9: {  	v5 =	vld [tilespmem:s3+$0x80]  }
0xca: {  	[tilespmem:s3+$0x19210] =	vst v2;
	v0 =	vadd.f32 v0, v4;
	v2 =	vld [tilespmem:s3+$0xCA90]  }
0xcb: {  	v4 =	vld [tilespmem:s3+$0x90]  }
0xcc: {  	[tilespmem:s3+$0x19220] =	vst v0;
	v0 =	vadd.f32 v1, v6;
	v1 =	vld [tilespmem:s3+$0xCAA0]  }
0xcd: {  	v6 =	vld [tilespmem:s3+$0xA0]  }
0xce: {  	[tilespmem:s3+$0x19230] =	vst v0;
	v0 =	vadd.f32 v5, v3;
	v3 =	vld [tilespmem:s3+$0xCAB0]  }
0xcf: {  	v5 =	vld [tilespmem:s3+$0xB0]  }
0xd0: {  	[tilespmem:s3+$0x19280] =	vst v0;
	v0 =	vadd.f32 v4, v2;
	v2 =	vld [tilespmem:s3+$0xCB00]  }
0xd1: {  	v4 =	vld [tilespmem:s3+$0x100]  }
0xd2: {  	[tilespmem:s3+$0x19290] =	vst v0;
	v0 =	vadd.f32 v6, v1;
	v1 =	vld [tilespmem:s3+$0xCB10]  }
0xd3: {  	v6 =	vld [tilespmem:s3+$0x110]  }
0xd4: {  	[tilespmem:s3+$0x192A0] =	vst v0;
	v0 =	vadd.f32 v5, v3;
	v3 =	vld [tilespmem:s3+$0xCB20]  }
0xd5: {  	v5 =	vld [tilespmem:s3+$0x120]  }
0xd6: {  	[tilespmem:s3+$0x192B0] =	vst v0;
	v0 =	vadd.f32 v4, v2;
	v4 =	vld [tilespmem:s3+$0xCB30]  }
0xd7: {  	v7 =	vld [tilespmem:s3+$0x130]  }
0xd8: {  	[tilespmem:s3+$0x19300] =	vst v0;
	v0 =	vadd.f32 v6, v1;
	v6 =	vld [tilespmem:s3+$0xCB80]  }
0xd9: {  	v8 =	vld [tilespmem:s3+$0x180]  }
.Ltmp1:
0xda: {  	[tilespmem:s3+$0x19310] =	vst v0;
	v0 =	vadd.f32 v5, v3;
	v2 =	vld [tilespmem:s3+$0xCB90];
	(pc) =	sbr.rel @p1 .LBB2_5-.Ltmp1, $4  }
0xdb: {  	v3 =	vld [tilespmem:s3+$0x190]  }
0xdc: {  	[tilespmem:s3+$0x19320] =	vst v0;
	v5 =	vadd.f32 v7, v4;
	v0 =	vld [tilespmem:s3+$0xCBA0]  }
0xdd: {  	s4 =	sshra.s32 s0, $0x2;
	v4 =	vld [tilespmem:s3+$0x1A0]  }
0xde: {  	s0 =	sadd.s32 $0x800, s0;
	v1 =	vld [tilespmem:s4+$0xCBB0];
	[tilespmem:s3+$0x19330] =	vst v5;
	v5 =	vadd.f32 v8, v6  }
0xdf: {  	v6 =	vld [tilespmem:s4+$0x1B0]  }
0xe0: {  	v7 =	vld [tilespmem:s4+$0xCA00];
	[tilespmem:s3+$0x19380] =	vst v5;
	v2 =	vadd.f32 v3, v2  }
0xe1: {  	v28 =	vld [tilespmem:s4+$0x0]  }
0xe2: {  	v5 =	vld [tilespmem:s4+$0xCA10];
	[tilespmem:s3+$0x19390] =	vst v2;
	v0 =	vadd.f32 v4, v0  }
0xe3: {  	v2 =	vld [tilespmem:s4+$0x10]  }
0xe4: {  	v29 =	vld [tilespmem:s4+$0xCA20];
	[tilespmem:s3+$0x193A0] =	vst v0  }
0xe5: {  	v31 =	vld [tilespmem:s4+$0x20]  }
0xe6: {  	v32 =	vld [tilespmem:s4+$0xCA30]  }
0xe7: {  	v33 =	vld [tilespmem:s4+$0x30]  }
0xe8: {  	v34 =	vld [tilespmem:s4+$0xCA80]  }
0xe9: {  	v35 =	vld [tilespmem:s4+$0x80]  }
0xea: {  	v36 =	vld [tilespmem:s4+$0xCA90]  }
0xeb: {  	v37 =	vld [tilespmem:s4+$0x90]  }
0xec: {  	v38 =	vld [tilespmem:s4+$0xCAA0]  }
0xed: {  	v39 =	vld [tilespmem:s4+$0xA0]  }
0xee: {  	v41 =	vld [tilespmem:s4+$0xCAB0]  }
0xef: {  	v42 =	vld [tilespmem:s4+$0xB0]  }
0xf0: {  	v44 =	vld [tilespmem:s4+$0xCB00]  }
0xf1: {  	v45 =	vld [tilespmem:s4+$0x100]  }
0xf2: {  	v47 =	vld [tilespmem:s4+$0xCB10]  }
0xf3: {  	v30 =	vadd.f32 v6, v1;
	v48 =	vld [tilespmem:s4+$0x110]  }
0xf4: {  	v50 =	vld [tilespmem:s4+$0xCB20];
	v3 =	vadd.f32 v28, v7  }
0xf5: {  	v51 =	vld [tilespmem:s4+$0x120];
	[tilespmem:s4+$0x193B0] =	vst v30;
	v2 =	vadd.f32 v2, v5  }
0xf6: {  	v53 =	vld [tilespmem:s4+$0xCB30];
	[tilespmem:s4+$0x19200] =	vst v3;
	v1 =	vadd.f32 v31, v29  }
0xf7: {  	v54 =	vld [tilespmem:s4+$0x130];
	[tilespmem:s4+$0x19210] =	vst v2;
	v0 =	vadd.f32 v33, v32  }
0xf8: {  	v56 =	vld [tilespmem:s4+$0xCB80];
	v40 =	vadd.f32 v35, v34;
	[tilespmem:s4+$0x19220] =	vst v1  }
0xf9: {  	v57 =	vld [tilespmem:s4+$0x180];
	v43 =	vadd.f32 v37, v36;
	[tilespmem:s4+$0x19230] =	vst v0  }
0xfa: {  	v59 =	vld [tilespmem:s4+$0xCB90];
	v46 =	vadd.f32 v39, v38;
	[tilespmem:s4+$0x19280] =	vst v40  }
0xfb: {  	v60 =	vld [tilespmem:s4+$0x190];
	v49 =	vadd.f32 v42, v41;
	[tilespmem:s4+$0x19290] =	vst v43  }
0xfc: {  	v61 =	vld [tilespmem:s4+$0xCBA0];
	v52 =	vadd.f32 v45, v44;
	[tilespmem:s4+$0x192A0] =	vst v46  }
0xfd: {  	v62 =	vld [tilespmem:s4+$0x1A0];
	v55 =	vadd.f32 v48, v47;
	[tilespmem:s4+$0x192B0] =	vst v49  }
0xfe: {  	v58 =	vadd.f32 v51, v50;
	[tilespmem:s4+$0x19300] =	vst v52  }
0xff: {  	v2 =	vadd.f32 v54, v53;
	[tilespmem:s4+$0x19310] =	vst v55  }
0x100: {  	v63 =	vadd.f32 v60, v59;
	[tilespmem:s4+$0x19320] =	vst v58  }
0x101: {  	v1 =	vadd.f32 v57, v56;
	[tilespmem:s4+$0x19330] =	vst v2  }
0x102: {  	s0 =	sadd.s32 s31, s12;
	v0 =	vadd.f32 v62, v61;
	[tilespmem:s4+$0x19390] =	vst v63  }
0x103: {  	s0 =	sshll.u32 s0, $0x4;
	[tilespmem:s4+$0x19380] =	vst v1  }
0x104: {  	s0 =	sadd.s32 s7, s0;
	[tilespmem:s4+$0x193A0] =	vst v0  }
0x105: {  	[hbm4b:s0+s5] =	stream.linear.scatter [tilespmem:s25], [sflag:$0x6], $0x6400, $0x38;
	[tilespmem:$0x1F600] =	vst v63  }
0x106: {  	s0 =	simm.s32 @!p0 $0x4  }
0x107: {  	_ =	swait.ge @!p0 [sflag:s0], $0xC8  }
0x108: {  	s30 =	sadd.s32 $0x1, s30;
	s3 =	simm.s32 @!p0 $0x6500;
	[sflag:s0] =	ssyncset.done @!p0 $0x0  }
0x109: {  	s4 =	simm.s32 @!p0 $0xCA00;
	[sflag:s0] =	ssyncadd.s32 @!p0 $0xFFFFFF38;
	s0 =	simm.s32 @!p0 $0xC8  }
0x10a: {  	[tilespmem:s4], [sflag:$0x2] =	stream.indirect.gather @!p0 [hbm4b:s2+s0], $0x80, s3, s0, $0xb8;
	[tilespmem:$0x1F600] =	vst v63  }
0x10b: {  	p0 =	sne.s32 s30, $0x40  }
.Ltmp2:
0x10c: {  	_ = 	snop;
	(pc) =	sbr.rel @p0 .LBB2_2-.Ltmp2, $1  }
0x10d: {  	_ =	sdelay $0x3  }
0x10e: {  	s29 =	sadd.s32 $0x1, s29  }
0x10f: {  	_ =	swait.ge [sflag:s26], $0x6400;
	p0 =	sne.s32 s29, s13  }
.Ltmp3:
0x110: {  	[sflag:s26] =	ssyncset.done $0x0;
	(pc) =	sbr.rel @p0 .LBB2_1-.Ltmp3, $4  }
0x111: {  	[sflag:s26] =	ssyncadd.s32 $0xFFFF9C00  }
0x112: {  	_ =	swait.ge [sflag:s28], $0x6400  }
0x113: {  	[sflag:s28] =	ssyncset.done $0x0  }
0x114: {  	[sflag:s28] =	ssyncadd.s32 $0xFFFF9C00  }
0x115: {  	_ =	sfence.sel $0x180000  }
0x116: {  	[bflag:$0x0] =	sbarrier.arrive $0xFFFF  }
0x117: {  	_ =	strace $0x90000047  }
0x118: {  	s0 =	stileid.u32;
	[bflag:$0x2] =	sbarrier.arrive $0xFFFF  }
0x119: {  	p0 =	sne.s32 s0, $0x0;
	s0 =	rddreg [dreg:$0x4]  }
0x11a: {  	s0 =	sadd.s32 @!p0 $0x100000, s0  }
0x11b: {  	[sflag:s0] =	ssyncadd.tile.s32 @!p0 $0x1;
	_ =	shalt  }
.Lfunc_end2:
_tile_overlayer_lowered:
.L_overlay_start_2:
0x11c: {  	(tag) =	ssettag $0x2  }
0x11d: {  	s0 =	rddreg [dreg:$0x0];
	s2 =	stileid.u32  }
0x11e: {  	s1 =	rddreg [dreg:$0x1];
	p0 =	sne.s32 s2, $0x0  }
0x11f: {  	s3 =	rddreg [dreg:$0x2];
	[bflag:$0x3] =	sbarrier.arrive $0xFFFF;
	s2 =	simm.s32 @!p0 $0x1C07  }
0x120: {  	[timem:s3], [sflag:s2] =	dma.local @!p0 [hbm:s0], s1  }
0x121: {  	s0 =	simm.s32 @!p0 $0x7  }
0x122: {  	_ =	swait.ge @!p0 [sflag:s0], s1  }
0x123: {  	s1 =	ssub.s32 @!p0 $0x0, s1;
	[sflag:s0] =	ssyncset.done @!p0 $0x0  }
0x124: {  	[sflag:s0] =	ssyncadd.s32 @!p0 s1  }
0x125: {  	[bflag:$0x3] =	sbarrier.arrive $0xFFFF  }
0x126: {  	_ =	shalt  }

</sc_bundles>
